<compile_context>
chip_gen: v7x
topology: tpu7x:2x2x1
jax: 0.10.2.dev20260603
libtpu: 0.0.44.dev20260713+nightly
codegen_flags: <defaults>
</compile_context>

<pallas_src>
import jax
import jax.numpy as jnp
from jax.experimental import pallas as pl
from jax.experimental.pallas import tpu as pltpu
from jax.experimental.pallas import tpu_sc as plsc

N_RAW = 5000
N_PAD = 5120
N_CLS = 80
J_BLK = 512
K_WIN = 128

INPUT_SIZE = 512.0
SCORE_THRESHOLD = 0.3
IOU_THRESHOLD = 0.45

_ORG_H, _ORG_W = 640, 960
_RATIO = min(INPUT_SIZE / _ORG_W, INPUT_SIZE / _ORG_H)
_DW = (INPUT_SIZE - _RATIO * _ORG_W) / 2.0
_DH = (INPUT_SIZE - _RATIO * _ORG_H) / 2.0

_f32 = jnp.float32


def _iota(shape, dim):
    return jax.lax.broadcasted_iota(jnp.int32, shape, dim).astype(_f32)


def _postprocess_kernel(pred_ref, meta_ref):
    predT = pred_ref[:, :]
    x = predT[0:1, :]
    y = predT[1:2, :]
    w = predT[2:3, :]
    h = predT[3:4, :]
    conf = predT[4:5, :]
    prob = predT[5:5 + N_CLS, :]

    xmin = x - w * 0.5
    ymin = y - h * 0.5
    xmax = x + w * 0.5
    ymax = y + h * 0.5
    ratio = _f32(_RATIO)
    x1 = (xmin - _f32(_DW)) / ratio
    x2 = (xmax - _f32(_DW)) / ratio
    y1 = (ymin - _f32(_DH)) / ratio
    y2 = (ymax - _f32(_DH)) / ratio
    x1c = jnp.maximum(x1, _f32(0.0))
    y1c = jnp.maximum(y1, _f32(0.0))
    x2c = jnp.minimum(x2, _f32(_ORG_W - 1.0))
    y2c = jnp.minimum(y2, _f32(_ORG_H - 1.0))
    invalid = (x1c > x2c) | (y1c > y2c)
    x1c = jnp.where(invalid, _f32(0.0), x1c)
    y1c = jnp.where(invalid, _f32(0.0), y1c)
    x2c = jnp.where(invalid, _f32(0.0), x2c)
    y2c = jnp.where(invalid, _f32(0.0), y2c)
    area = (x2c - x1c) * (y2c - y1c)
    bscale = jnp.sqrt(jnp.maximum(area, _f32(0.0)))
    scale_mask = bscale > _f32(0.0)

    pmax = jnp.max(prob, axis=0, keepdims=True)
    iota80c = _iota((N_CLS, 1), 0)
    cls = jnp.min(jnp.where(prob == pmax, iota80c, _f32(N_CLS)), axis=0,
                  keepdims=True)
    score0 = conf * pmax
    mask = scale_mask & (score0 > _f32(SCORE_THRESHOLD))
    s = jnp.where(mask, score0, _f32(0.0))
    pos_f = jnp.where(s > _f32(0.0), _f32(1.0), _f32(0.0))

    meta_ref[0:1, :] = x1c
    meta_ref[1:2, :] = y1c
    meta_ref[2:3, :] = x2c
    meta_ref[3:4, :] = y2c
    meta_ref[4:5, :] = area
    meta_ref[5:6, :] = s
    meta_ref[6:7, :] = cls
    meta_ref[7:8, :] = pos_f


def _ranks_kernel(meta_ref, chunk_ref, rk_ref):
    pid = pl.program_id(0)
    s = meta_ref[5:6, :]
    cls = meta_ref[6:7, :]
    s_chunk = chunk_ref[5:6, :]
    c_chunk = chunk_ref[6:7, :]

    eye = jnp.where(
        jax.lax.broadcasted_iota(jnp.int32, (J_BLK, J_BLK), 0)
        == jax.lax.broadcasted_iota(jnp.int32, (J_BLK, J_BLK), 1),
        _f32(1.0), _f32(0.0))
    s_col = jax.lax.dot_general(eye, s_chunk, (((1,), (1,)), ((), ())),
                                preferred_element_type=_f32,
                                precision=jax.lax.Precision.HIGHEST)
    j0_f = pid.astype(_f32) * _f32(J_BLK)
    i_col = _iota((J_BLK, 1), 0) + j0_f
    idx_row = _iota((1, N_PAD), 1)

    before = (s_col > s) | ((s_col == s) & (i_col < idx_row))
    bf = jnp.where(before, _f32(1.0), _f32(0.0))
    ones_row = jnp.ones((1, J_BLK), _f32)
    d_rank = jax.lax.dot_general(ones_row, bf, (((1,), (0,)), ((), ())),
                                 preferred_element_type=_f32)
    iota80c = _iota((N_CLS, 1), 0)
    ohj = jnp.where(c_chunk == iota80c, _f32(1.0), _f32(0.0))
    d_acc = jax.lax.dot_general(ohj, bf, (((1,), (0,)), ((), ())),
                                preferred_element_type=_f32)
    part = jnp.concatenate(
        [d_rank, jnp.zeros((7, N_PAD), _f32), d_acc], axis=0)

    @pl.when(pid == 0)
    def _():
        rk_ref[:, :] = jnp.zeros((88, N_PAD), _f32)

    rk_ref[:, :] += part


def _nms_loop_kernel(meta_ref, rk_ref, y6k_ref,
                     bx1_ref, by1_ref, bx2_ref, by2_ref, kb_ref):
    x1c = meta_ref[0:1, :]
    y1c = meta_ref[1:2, :]
    x2c = meta_ref[2:3, :]
    y2c = meta_ref[3:4, :]
    s = meta_ref[5:6, :]
    cls = meta_ref[6:7, :]
    pos_f = meta_ref[7:8, :]

    pos = pos_f > _f32(0.5)
    iota80c = _iota((N_CLS, 1), 0)
    onehot_c = jnp.where(cls == iota80c, _f32(1.0), _f32(0.0))
    crk = jnp.sum(onehot_c * rk_ref[8:88, :], axis=0, keepdims=True)
    max_crk = jnp.max(jnp.where(pos, crk, _f32(-1.0)))
    n_steps = (max_crk + _f32(1.0)).astype(jnp.int32)
    n_win = (n_steps + K_WIN - 1) // K_WIN
    rw_col = _iota((K_WIN, 1), 0)
    c_lanes = (((1,), (1,)), ((), ()))
    c_cls = (((1,), (0,)), ((), ()))
    hi = jax.lax.Precision.HIGHEST

    def window(wb, keep):
        r0_f = wb.astype(_f32) * _f32(K_WIN)
        maskR = jnp.where(crk == (rw_col + r0_f), _f32(1.0), _f32(0.0))

        def bucket(chan):
            return jax.lax.dot_general(maskR * chan, onehot_c, c_lanes,
                                       preferred_element_type=_f32,
                                       precision=hi)

        bx1 = bucket(x1c)
        by1 = bucket(y1c)
        bx2 = bucket(x2c)
        by2 = bucket(y2c)
        kb0 = bucket(keep)
        bx1_ref[:, :] = bx1
        by1_ref[:, :] = by1
        bx2_ref[:, :] = bx2
        by2_ref[:, :] = by2
        kb_ref[:, :] = kb0
        area_b = (bx2 - bx1) * (by2 - by1)
        n_in = jnp.minimum(n_steps - wb * K_WIN, K_WIN)

        def inner(rw, carry):
            ax1 = bx1_ref[pl.ds(rw, 1), :]
            ay1 = by1_ref[pl.ds(rw, 1), :]
            ax2 = bx2_ref[pl.ds(rw, 1), :]
            ay2 = by2_ref[pl.ds(rw, 1), :]
            ak = kb_ref[pl.ds(rw, 1), :]
            kb = kb_ref[:, :]
            lux = jnp.maximum(ax1, bx1)
            luy = jnp.maximum(ay1, by1)
            rdx = jnp.minimum(ax2, bx2)
            rdy = jnp.minimum(ay2, by2)
            iw = jnp.maximum(rdx - lux, _f32(0.0))
            ih = jnp.maximum(rdy - luy, _f32(0.0))
            inter = iw * ih
            a_area = (ax2 - ax1) * (ay2 - ay1)
            union = a_area + area_b - inter
            iou = inter / (union + _f32(1e-9))
            after = rw_col > rw.astype(_f32)
            sup = (iou > _f32(IOU_THRESHOLD)) & (ak > _f32(0.5)) & after
            kb_ref[:, :] = kb * jnp.where(sup, _f32(0.0), _f32(1.0))
            return carry

        jax.lax.fori_loop(0, n_in, inner, 0)
        kbf = kb_ref[:, :]
        xk = jax.lax.dot_general(kbf, onehot_c, c_cls,
                                 preferred_element_type=_f32)
        in_w = jnp.sum(maskR, axis=0, keepdims=True)
        keep_w = jnp.sum(maskR * xk, axis=0, keepdims=True)
        keep1 = jnp.where(in_w > _f32(0.5), keep_w, keep)

        def cross(k):
            px1 = jax.lax.dot_general(bx1, onehot_c, c_cls,
                                      preferred_element_type=_f32,
                                      precision=hi)
            py1 = jax.lax.dot_general(by1, onehot_c, c_cls,
                                      preferred_element_type=_f32,
                                      precision=hi)
            px2 = jax.lax.dot_general(bx2, onehot_c, c_cls,
                                      preferred_element_type=_f32,
                                      precision=hi)
            py2 = jax.lax.dot_general(by2, onehot_c, c_cls,
                                      preferred_element_type=_f32,
                                      precision=hi)
            parea = (px2 - px1) * (py2 - py1)
            lux = jnp.maximum(px1, x1c)
            luy = jnp.maximum(py1, y1c)
            rdx = jnp.minimum(px2, x2c)
            rdy = jnp.minimum(py2, y2c)
            iw = jnp.maximum(rdx - lux, _f32(0.0))
            ih = jnp.maximum(rdy - luy, _f32(0.0))
            inter = iw * ih
            area_i = (x2c - x1c) * (y2c - y1c)
            union = parea + area_i - inter
            iou = inter / (union + _f32(1e-9))
            supc = ((iou > _f32(IOU_THRESHOLD)) & (xk > _f32(0.5))
                    & (crk > (rw_col + r0_f)))
            any_sup = jnp.max(jnp.where(supc, _f32(1.0), _f32(0.0)),
                              axis=0, keepdims=True)
            return k * (_f32(1.0) - any_sup)

        return jax.lax.cond(wb + 1 < n_win, cross, lambda k: k, keep1)

    keep = jax.lax.fori_loop(0, n_win, window, pos_f)

    y6k_ref[0:1, :] = x1c * keep
    y6k_ref[1:2, :] = y1c * keep
    y6k_ref[2:3, :] = x2c * keep
    y6k_ref[3:4, :] = y2c * keep
    y6k_ref[4:5, :] = s * keep
    y6k_ref[5:6, :] = cls * keep
    y6k_ref[6:8, :] = jnp.zeros((2, N_PAD), _f32)


_SC_NW = 32
_SC_ROWS = N_PAD // _SC_NW


def _sc_scatter_kernel(rows_hbm, rank_hbm, out_hbm, idx_v, rows_v, sem):
    wid = (jax.lax.axis_index("s") * 2 + jax.lax.axis_index("c")).astype(
        jnp.int32)
    base = wid * _SC_ROWS
    pltpu.sync_copy(rank_hbm.at[pl.ds(base, _SC_ROWS)], idx_v)
    pltpu.sync_copy(rows_hbm.at[pl.ds(base, _SC_ROWS)], rows_v)
    pltpu.async_copy(rows_v, out_hbm.at[idx_v], sem).wait()


@jax.jit
def kernel(input_data, prediction):
    del input_data
    pred_pad = jnp.zeros((96, N_PAD), jnp.float32)
    pred_pad = pred_pad.at[:85, :N_RAW].set(prediction.T)

    meta = pl.pallas_call(
        _postprocess_kernel,
        out_shape=jax.ShapeDtypeStruct((8, N_PAD), _f32),
    )(pred_pad)

    n_j = N_PAD // J_BLK
    rk = pl.pallas_call(
        _ranks_kernel,
        grid=(n_j,),
        in_specs=[
            pl.BlockSpec((8, N_PAD), lambda j: (0, 0)),
            pl.BlockSpec((8, J_BLK), lambda j: (0, j)),
        ],
        out_specs=pl.BlockSpec((88, N_PAD), lambda j: (0, 0)),
        out_shape=jax.ShapeDtypeStruct((88, N_PAD), _f32),
    )(meta, meta)

    y6k = pl.pallas_call(
        _nms_loop_kernel,
        out_shape=jax.ShapeDtypeStruct((8, N_PAD), _f32),
        scratch_shapes=[pltpu.VMEM((K_WIN, N_CLS), _f32)
                        for _ in range(5)],
    )(meta, rk)

    rows = jnp.broadcast_to(y6k.T[:, None, :], (N_PAD, 16, 8)).reshape(
        N_PAD, 128)
    rank_i32 = rk[0].astype(jnp.int32)
    mesh = plsc.VectorSubcoreMesh(core_axis_name="c", subcore_axis_name="s")
    out = pl.kernel(
        _sc_scatter_kernel,
        mesh=mesh,
        out_type=jax.ShapeDtypeStruct((N_PAD, 128), _f32),
        scratch_types=[
            pltpu.VMEM((_SC_ROWS,), jnp.int32),
            pltpu.VMEM((_SC_ROWS, 128), _f32),
            pltpu.SemaphoreType.DMA,
        ],
    )(rows, rank_i32)
    return out[:N_RAW, :6]

# --- scband reference (transcript-rebuilt; emitter-appended) ---
"""Pipeline reference for scband-yolo-strategy-27590869909654 (READ-ONLY COPY).

The authoritative reference and input builder live on the scoring server;
editing this copy changes nothing except your own understanding.
"""

import jax, jax.numpy as jnp
import numpy as np

INPUT_SIZE = 512
SCORE_THRESHOLD = 0.3
IOU_THRESHOLD = 0.45


def setup_inputs(seed: int = 0) -> dict:
    key = jax.random.key(seed)
    k1, k2 = jax.random.split(key)
    raw = jax.random.uniform(k1, (5000, 85), dtype=jnp.float32)
    # scale raw uniforms into realistic YOLO output ranges (pixel coords in 512 input space)
    xy = raw[:, :2] * INPUT_SIZE
    wh = raw[:, 2:4] * 128.0 + 1.0
    conf = raw[:, 4:5]
    prob = raw[:, 5:]
    prediction = jnp.concatenate([xy, wh, conf, prob], axis=-1)
    input_data = jax.random.uniform(k2, (640, 960, 3), dtype=jnp.float32)
    return {"input_data": input_data, "prediction": prediction}


def _postprocess_and_nms(prediction, input_data):
    N = prediction.shape[0]
    pred_xywh = prediction[:, 0:4]
    pred_conf = prediction[:, 4]
    pred_prob = prediction[:, 5:]
    # (x, y, w, h) --> (xmin, ymin, xmax, ymax)
    pred_coor = jnp.concatenate([pred_xywh[:, :2] - pred_xywh[:, 2:] * 0.5,
                                 pred_xywh[:, :2] + pred_xywh[:, 2:] * 0.5], axis=-1)
    org_h, org_w = input_data.shape[0], input_data.shape[1]
    resize_ratio = min(INPUT_SIZE / org_w, INPUT_SIZE / org_h)
    dw = (INPUT_SIZE - resize_ratio * org_w) / 2.0
    dh = (INPUT_SIZE - resize_ratio * org_h) / 2.0
    xs = (pred_coor[:, 0::2] - dw) / resize_ratio
    ys = (pred_coor[:, 1::2] - dh) / resize_ratio
    pred_coor = jnp.stack([xs[:, 0], ys[:, 0], xs[:, 1], ys[:, 1]], axis=-1)
    # clip to image bounds
    pred_coor = jnp.concatenate([jnp.maximum(pred_coor[:, :2], 0.0),
                                 jnp.minimum(pred_coor[:, 2:], jnp.array([org_w - 1.0, org_h - 1.0], dtype=jnp.float32))],
                                axis=-1)
    invalid = (pred_coor[:, 0] > pred_coor[:, 2]) | (pred_coor[:, 1] > pred_coor[:, 3])
    pred_coor = jnp.where(invalid[:, None], 0.0, pred_coor)
    bboxes_scale = jnp.sqrt(jnp.maximum((pred_coor[:, 2] - pred_coor[:, 0]) * (pred_coor[:, 3] - pred_coor[:, 1]), 0.0))
    scale_mask = (bboxes_scale > 0.0) & (bboxes_scale < jnp.inf)
    classes = jnp.argmax(pred_prob, axis=-1)
    scores = pred_conf * jnp.take_along_axis(pred_prob, classes[:, None], axis=1)[:, 0]
    mask = scale_mask & (scores > SCORE_THRESHOLD)
    scores = jnp.where(mask, scores, 0.0)
    # class-aware greedy hard-NMS on fixed-size arrays (suppressed boxes zeroed out)
    order = jnp.argsort(-scores)
    b = pred_coor[order]
    s = scores[order]
    c = classes[order]
    area = (b[:, 2] - b[:, 0]) * (b[:, 3] - b[:, 1])
    idx = jnp.arange(N)

    def body(i, keep):
        cur = keep[i] & (s[i] > 0.0)
        lu = jnp.maximum(b[i, :2], b[:, :2])
        rd = jnp.minimum(b[i, 2:], b[:, 2:])
        inter = jnp.maximum(rd - lu, 0.0)
        inter_area = inter[:, 0] * inter[:, 1]
        union = area[i] + area - inter_area
        iou = jnp.maximum(inter_area / (union + 1e-9), jnp.finfo(jnp.float32).eps)
        suppress = (iou > IOU_THRESHOLD) & (c == c[i]) & (idx > i)
        return jnp.where(cur, keep & (~suppress), keep)

    keep = jax.lax.fori_loop(0, N, body, s > 0.0)
    out = jnp.concatenate([b, s[:, None], c[:, None].astype(jnp.float32)], axis=-1)
    return out * keep[:, None].astype(jnp.float32)


def reference(input_data, prediction):
    return _postprocess_and_nms(prediction, input_data)

if __name__ == "__main__":
    import jax
    _d = setup_inputs()
    print(jax.jit(kernel)(*tuple(_d.values())))

</pallas_src>

<mosaic_0001>
#map = affine_map<(d0, d1) -> (0, 0)>
#map1 = affine_map<(d0, d1) -> (0)>
module attributes {stable_mosaic.version = 14 : i64} {
  func.func @_sc_scatter_kernel(%arg0: i32, %arg1: i32, %arg2: memref<5120x128xf32, #tpu.memory_space<hbm>>, %arg3: memref<5120xi32, #tpu.memory_space<hbm>>, %arg4: memref<5120x128xf32, #tpu.memory_space<hbm>>, %arg5: memref<160xi32, #tpu.memory_space<vmem>>, %arg6: memref<160x128xf32, #tpu.memory_space<vmem>>, %arg7: memref<!tpu.dma_semaphore, #tpu.memory_space<semaphore_mem>>) attributes {dimension_semantics = [#tpu.dimension_semantics<core_parallel>, #tpu.dimension_semantics<subcore_parallel>], iteration_bounds = array<i64: 2, 16>, scalar_prefetch = 0 : i64, scratch_operands = 3 : i64, tpu.core_type = #tpu.core_type<sc_vector_subcore>, window_params = [{transform_indices = #map}, {transform_indices = #map1}, {transform_indices = #map}]} {
    %mul3A = arith.constant 2 : i32
    %mul3A_0 = arith.muli %arg1, %mul3A : i32
    %add3A = arith.addi %mul3A_0, %arg0 : i32
    %mul3A_1 = arith.constant 160 : i32
    %mul3A_2 = arith.muli %add3A, %mul3A_1 : i32
    "tpu.region"() ({
      %run_scoped3A = tpu.sem_alloc : memref<!tpu.dma_semaphore, #tpu.memory_space<semaphore_mem>>
      %dma_start3A_7 = tpu.memref_slice %arg3[%mul3A_2] : memref<5120xi32, #tpu.memory_space<hbm>> -> memref<160xi32, #tpu.memory_space<hbm>>
      %dma_start3A_8 = tpu.memref_slice %arg3[%mul3A_2] : memref<5120xi32, #tpu.memory_space<hbm>> -> memref<160xi32, #tpu.memory_space<hbm>>
      tpu.enqueue_dma source(%dma_start3A_8 : memref<160xi32, #tpu.memory_space<hbm>>) target(%arg5 : memref<160xi32, #tpu.memory_space<vmem>>) target_semaphore(%run_scoped3A : memref<!tpu.dma_semaphore, #tpu.memory_space<semaphore_mem>>)
      %dma_wait3A_9 = tpu.memref_slice %arg3[%mul3A_2] : memref<5120xi32, #tpu.memory_space<hbm>> -> memref<160xi32, #tpu.memory_space<hbm>>
      %dma_wait3A_10 = tpu.memref_slice %arg3[%mul3A_2] : memref<5120xi32, #tpu.memory_space<hbm>> -> memref<160xi32, #tpu.memory_space<hbm>>
      tpu.wait_dma2 semaphore(%run_scoped3A : memref<!tpu.dma_semaphore, #tpu.memory_space<semaphore_mem>>) src(%dma_wait3A_10 : memref<160xi32, #tpu.memory_space<hbm>>) dst(%arg5 : memref<160xi32, #tpu.memory_space<vmem>>)
      tpu.yield
    }) : () -> ()
    "tpu.region"() ({
      %run_scoped3A = tpu.sem_alloc : memref<!tpu.dma_semaphore, #tpu.memory_space<semaphore_mem>>
      %dma_start3A_7 = arith.constant 0 : i32
      %dma_start3A_8 = tpu.memref_slice %arg2[%mul3A_2, %dma_start3A_7] : memref<5120x128xf32, #tpu.memory_space<hbm>> -> memref<160x128xf32, #tpu.memory_space<hbm>>
      %dma_start3A_9 = arith.constant 0 : i32
      %dma_start3A_10 = tpu.memref_slice %arg2[%mul3A_2, %dma_start3A_9] : memref<5120x128xf32, #tpu.memory_space<hbm>> -> memref<160x128xf32, #tpu.memory_space<hbm>>
      tpu.enqueue_dma source(%dma_start3A_10 : memref<160x128xf32, #tpu.memory_space<hbm>>) target(%arg6 : memref<160x128xf32, #tpu.memory_space<vmem>>) target_semaphore(%run_scoped3A : memref<!tpu.dma_semaphore, #tpu.memory_space<semaphore_mem>>)
      %dma_wait3A_11 = arith.constant 0 : i32
      %dma_wait3A_12 = tpu.memref_slice %arg2[%mul3A_2, %dma_wait3A_11] : memref<5120x128xf32, #tpu.memory_space<hbm>> -> memref<160x128xf32, #tpu.memory_space<hbm>>
      %dma_wait3A_13 = arith.constant 0 : i32
      %dma_wait3A_14 = tpu.memref_slice %arg2[%mul3A_2, %dma_wait3A_13] : memref<5120x128xf32, #tpu.memory_space<hbm>> -> memref<160x128xf32, #tpu.memory_space<hbm>>
      tpu.wait_dma2 semaphore(%run_scoped3A : memref<!tpu.dma_semaphore, #tpu.memory_space<semaphore_mem>>) src(%dma_wait3A_14 : memref<160x128xf32, #tpu.memory_space<hbm>>) dst(%arg6 : memref<160x128xf32, #tpu.memory_space<vmem>>)
      tpu.yield
    }) : () -> ()
    %dma_start3A = arith.constant 0 : i32
    %dma_start3A_3 = arith.constant 0 : i32
    %dma_start3A_4 = tpu.memref_slice %arg4[%dma_start3A, %dma_start3A_3] : memref<5120x128xf32, #tpu.memory_space<hbm>> -> memref<5120x128xf32, #tpu.memory_space<hbm>>
    tpu.enqueue_indirect_dma source(%arg6 : memref<160x128xf32, #tpu.memory_space<vmem>>) target(%dma_start3A_4 : memref<5120x128xf32, #tpu.memory_space<hbm>>) offsets(%arg5 : memref<160xi32, #tpu.memory_space<vmem>>) semaphore(%arg7 : memref<!tpu.dma_semaphore, #tpu.memory_space<semaphore_mem>>)
    %dma_wait3A = arith.constant 0 : i32
    %dma_wait3A_5 = arith.constant 0 : i32
    %dma_wait3A_6 = tpu.memref_slice %arg4[%dma_wait3A, %dma_wait3A_5] : memref<5120x128xf32, #tpu.memory_space<hbm>> -> memref<5120x128xf32, #tpu.memory_space<hbm>>
    tpu.wait_indirect_dma semaphore(%arg7 : memref<!tpu.dma_semaphore, #tpu.memory_space<semaphore_mem>>) src(%arg6 : memref<160x128xf32, #tpu.memory_space<vmem>>) dst(%dma_wait3A_6 : memref<5120x128xf32, #tpu.memory_space<hbm>>)
    return
  }
}

module attributes {stable_mosaic.version = 14 : i64} {
  func.func @_postprocess_kernel(%arg0: memref<96x5120xf32, #tpu.memory_space<vmem>>, %arg1: memref<8x5120xf32, #tpu.memory_space<vmem>>) attributes {dimension_semantics = [], scalar_prefetch = 0 : i64, scratch_operands = 0 : i64, tpu.core_type = #tpu.core_type<tc>} {
    %get3A = arith.constant 0 : index
    %get3A_0 = arith.constant 0 : index
    %get3A_1 = vector.load %arg0[%get3A, %get3A_0] : memref<96x5120xf32, #tpu.memory_space<vmem>>, vector<96x5120xf32>
    %slice3A = vector.extract_strided_slice %get3A_1 {offsets = [0, 0], sizes = [1, 5120], strides = [1, 1]} : vector<96x5120xf32> to vector<1x5120xf32>
    %slice3A_2 = vector.extract_strided_slice %get3A_1 {offsets = [1, 0], sizes = [1, 5120], strides = [1, 1]} : vector<96x5120xf32> to vector<1x5120xf32>
    %slice3A_3 = vector.extract_strided_slice %get3A_1 {offsets = [2, 0], sizes = [1, 5120], strides = [1, 1]} : vector<96x5120xf32> to vector<1x5120xf32>
    %slice3A_4 = vector.extract_strided_slice %get3A_1 {offsets = [3, 0], sizes = [1, 5120], strides = [1, 1]} : vector<96x5120xf32> to vector<1x5120xf32>
    %slice3A_5 = vector.extract_strided_slice %get3A_1 {offsets = [4, 0], sizes = [1, 5120], strides = [1, 1]} : vector<96x5120xf32> to vector<1x5120xf32>
    %slice3A_6 = vector.extract_strided_slice %get3A_1 {offsets = [5, 0], sizes = [80, 5120], strides = [1, 1]} : vector<96x5120xf32> to vector<80x5120xf32>
    %mul3A = arith.constant 5.000000e-01 : f32
    %mul3A_7 = vector.broadcast %mul3A : f32 to vector<1x5120xf32>
    %mul3A_8 = arith.mulf %slice3A_3, %mul3A_7 : vector<1x5120xf32>
    %sub3A = arith.subf %slice3A, %mul3A_8 : vector<1x5120xf32>
    %mul3A_9 = arith.constant 5.000000e-01 : f32
    %mul3A_10 = vector.broadcast %mul3A_9 : f32 to vector<1x5120xf32>
    %mul3A_11 = arith.mulf %slice3A_4, %mul3A_10 : vector<1x5120xf32>
    %sub3A_12 = arith.subf %slice3A_2, %mul3A_11 : vector<1x5120xf32>
    %mul3A_13 = arith.constant 5.000000e-01 : f32
    %mul3A_14 = vector.broadcast %mul3A_13 : f32 to vector<1x5120xf32>
    %mul3A_15 = arith.mulf %slice3A_3, %mul3A_14 : vector<1x5120xf32>
    %add3A = arith.addf %slice3A, %mul3A_15 : vector<1x5120xf32>
    %mul3A_16 = arith.constant 5.000000e-01 : f32
    %mul3A_17 = vector.broadcast %mul3A_16 : f32 to vector<1x5120xf32>
    %mul3A_18 = arith.mulf %slice3A_4, %mul3A_17 : vector<1x5120xf32>
    %add3A_19 = arith.addf %slice3A_2, %mul3A_18 : vector<1x5120xf32>
    %sub3A_20 = arith.constant 0.000000e+00 : f32
    %sub3A_21 = vector.broadcast %sub3A_20 : f32 to vector<1x5120xf32>
    %sub3A_22 = arith.subf %sub3A, %sub3A_21 : vector<1x5120xf32>
    %div3A = arith.constant 0.533333361 : f32
    %div3A_23 = vector.broadcast %div3A : f32 to vector<1x5120xf32>
    %div3A_24 = arith.divf %sub3A_22, %div3A_23 : vector<1x5120xf32>
    %sub3A_25 = arith.constant 0.000000e+00 : f32
    %sub3A_26 = vector.broadcast %sub3A_25 : f32 to vector<1x5120xf32>
    %sub3A_27 = arith.subf %add3A, %sub3A_26 : vector<1x5120xf32>
    %div3A_28 = arith.constant 0.533333361 : f32
    %div3A_29 = vector.broadcast %div3A_28 : f32 to vector<1x5120xf32>
    %div3A_30 = arith.divf %sub3A_27, %div3A_29 : vector<1x5120xf32>
    %sub3A_31 = arith.constant 85.3333359 : f32
    %sub3A_32 = vector.broadcast %sub3A_31 : f32 to vector<1x5120xf32>
    %sub3A_33 = arith.subf %sub3A_12, %sub3A_32 : vector<1x5120xf32>
    %div3A_34 = arith.constant 0.533333361 : f32
    %div3A_35 = vector.broadcast %div3A_34 : f32 to vector<1x5120xf32>
    %div3A_36 = arith.divf %sub3A_33, %div3A_35 : vector<1x5120xf32>
    %sub3A_37 = arith.constant 85.3333359 : f32
    %sub3A_38 = vector.broadcast %sub3A_37 : f32 to vector<1x5120xf32>
    %sub3A_39 = arith.subf %add3A_19, %sub3A_38 : vector<1x5120xf32>
    %div3A_40 = arith.constant 0.533333361 : f32
    %div3A_41 = vector.broadcast %div3A_40 : f32 to vector<1x5120xf32>
    %div3A_42 = arith.divf %sub3A_39, %div3A_41 : vector<1x5120xf32>
    %max3A = arith.constant 0.000000e+00 : f32
    %max3A_43 = vector.broadcast %max3A : f32 to vector<1x5120xf32>
    %max3A_44 = arith.maximumf %div3A_24, %max3A_43 : vector<1x5120xf32>
    %max3A_45 = arith.constant 0.000000e+00 : f32
    %max3A_46 = vector.broadcast %max3A_45 : f32 to vector<1x5120xf32>
    %max3A_47 = arith.maximumf %div3A_36, %max3A_46 : vector<1x5120xf32>
    %min3A = arith.constant 9.590000e+02 : f32
    %min3A_48 = vector.broadcast %min3A : f32 to vector<1x5120xf32>
    %min3A_49 = arith.minimumf %div3A_30, %min3A_48 : vector<1x5120xf32>
    %min3A_50 = arith.constant 6.390000e+02 : f32
    %min3A_51 = vector.broadcast %min3A_50 : f32 to vector<1x5120xf32>
    %min3A_52 = arith.minimumf %div3A_42, %min3A_51 : vector<1x5120xf32>
    %gt3A = arith.cmpf ogt, %max3A_44, %min3A_49 : vector<1x5120xf32>
    %gt3A_53 = arith.cmpf ogt, %max3A_47, %min3A_52 : vector<1x5120xf32>
    %or3A = arith.ori %gt3A, %gt3A_53 : vector<1x5120xi1>
    %jit3A = arith.constant 0.000000e+00 : f32
    %broadcast_in_dim3A = vector.broadcast %jit3A : f32 to vector<1x5120xf32>
    %select_n3A = arith.select %or3A, %broadcast_in_dim3A, %max3A_44 : vector<1x5120xi1>, vector<1x5120xf32>
    %jit3A_54 = arith.constant 0.000000e+00 : f32
    %broadcast_in_dim3A_55 = vector.broadcast %jit3A_54 : f32 to vector<1x5120xf32>
    %select_n3A_56 = arith.select %or3A, %broadcast_in_dim3A_55, %max3A_47 : vector<1x5120xi1>, vector<1x5120xf32>
    %jit3A_57 = arith.constant 0.000000e+00 : f32
    %broadcast_in_dim3A_58 = vector.broadcast %jit3A_57 : f32 to vector<1x5120xf32>
    %select_n3A_59 = arith.select %or3A, %broadcast_in_dim3A_58, %min3A_49 : vector<1x5120xi1>, vector<1x5120xf32>
    %jit3A_60 = arith.constant 0.000000e+00 : f32
    %broadcast_in_dim3A_61 = vector.broadcast %jit3A_60 : f32 to vector<1x5120xf32>
    %select_n3A_62 = arith.select %or3A, %broadcast_in_dim3A_61, %min3A_52 : vector<1x5120xi1>, vector<1x5120xf32>
    %sub3A_63 = arith.subf %select_n3A_59, %select_n3A : vector<1x5120xf32>
    %sub3A_64 = arith.subf %select_n3A_62, %select_n3A_56 : vector<1x5120xf32>
    %mul3A_65 = arith.mulf %sub3A_63, %sub3A_64 : vector<1x5120xf32>
    %max3A_66 = arith.constant 0.000000e+00 : f32
    %max3A_67 = vector.broadcast %max3A_66 : f32 to vector<1x5120xf32>
    %max3A_68 = arith.maximumf %mul3A_65, %max3A_67 : vector<1x5120xf32>
    %sqrt3A = math.sqrt %max3A_68 : vector<1x5120xf32>
    %gt3A_69 = arith.constant 0.000000e+00 : f32
    %gt3A_70 = vector.broadcast %gt3A_69 : f32 to vector<1x5120xf32>
    %gt3A_71 = arith.cmpf ogt, %sqrt3A, %gt3A_70 : vector<1x5120xf32>
    %reduce_max3A = arith.constant dense<0xFF800000> : vector<5120xf32>
    %reduce_max3A_72 = vector.multi_reduction <maximumf>, %slice3A_6, %reduce_max3A [0] : vector<80x5120xf32> to vector<5120xf32>
    %broadcast_in_dim3A_73 = vector.shape_cast %reduce_max3A_72 : vector<5120xf32> to vector<1x5120xf32>
    %iota3A = tpu.iota {dimensions = array<i32: 0>} : vector<80x1xi32>
    %convert_element_type3A = arith.sitofp %iota3A : vector<80x1xi32> to vector<80x1xf32>
    %eq3A = vector.broadcast %broadcast_in_dim3A_73 : vector<1x5120xf32> to vector<80x5120xf32>
    %eq3A_74 = arith.cmpf oeq, %slice3A_6, %eq3A : vector<80x5120xf32>
    %jit3A_75 = arith.constant 8.000000e+01 : f32
    %broadcast_in_dim3A_76 = vector.shape_cast %convert_element_type3A : vector<80x1xf32> to vector<80x1xf32>
    %broadcast_in_dim3A_77 = vector.broadcast %broadcast_in_dim3A_76 : vector<80x1xf32> to vector<80x5120xf32>
    %broadcast_in_dim3A_78 = vector.broadcast %jit3A_75 : f32 to vector<80x5120xf32>
    %select_n3A_79 = arith.select %eq3A_74, %broadcast_in_dim3A_77, %broadcast_in_dim3A_78 : vector<80x5120xi1>, vector<80x5120xf32>
    %reduce_min3A = arith.constant dense<0x7F800000> : vector<5120xf32>
    %reduce_min3A_80 = vector.multi_reduction <minimumf>, %select_n3A_79, %reduce_min3A [0] : vector<80x5120xf32> to vector<5120xf32>
    %broadcast_in_dim3A_81 = vector.shape_cast %reduce_min3A_80 : vector<5120xf32> to vector<1x5120xf32>
    %mul3A_82 = arith.mulf %slice3A_5, %broadcast_in_dim3A_73 : vector<1x5120xf32>
    %gt3A_83 = arith.constant 3.000000e-01 : f32
    %gt3A_84 = vector.broadcast %gt3A_83 : f32 to vector<1x5120xf32>
    %gt3A_85 = arith.cmpf ogt, %mul3A_82, %gt3A_84 : vector<1x5120xf32>
    %and3A = arith.andi %gt3A_71, %gt3A_85 : vector<1x5120xi1>
    %jit3A_86 = arith.constant 0.000000e+00 : f32
    %broadcast_in_dim3A_87 = vector.broadcast %jit3A_86 : f32 to vector<1x5120xf32>
    %select_n3A_88 = arith.select %and3A, %mul3A_82, %broadcast_in_dim3A_87 : vector<1x5120xi1>, vector<1x5120xf32>
    %gt3A_89 = arith.constant 0.000000e+00 : f32
    %gt3A_90 = vector.broadcast %gt3A_89 : f32 to vector<1x5120xf32>
    %gt3A_91 = arith.cmpf ogt, %select_n3A_88, %gt3A_90 : vector<1x5120xf32>
    %jit3A_92 = arith.constant 1.000000e+00 : f32
    %jit3A_93 = arith.constant 0.000000e+00 : f32
    %broadcast_in_dim3A_94 = vector.broadcast %jit3A_92 : f32 to vector<1x5120xf32>
    %broadcast_in_dim3A_95 = vector.broadcast %jit3A_93 : f32 to vector<1x5120xf32>
    %select_n3A_96 = arith.select %gt3A_91, %broadcast_in_dim3A_94, %broadcast_in_dim3A_95 : vector<1x5120xi1>, vector<1x5120xf32>
    %swap3A = arith.constant 0 : index
    %swap3A_97 = arith.constant 0 : index
    %swap3A_98 = vector.load %arg1[%swap3A, %swap3A_97] : memref<8x5120xf32, #tpu.memory_space<vmem>>, vector<1x5120xf32>
    tpu.vector_store %arg1[%swap3A, %swap3A_97], %select_n3A {strides = array<i32>} : memref<8x5120xf32, #tpu.memory_space<vmem>>, vector<1x5120xf32>,
    %swap3A_99 = arith.constant 1 : index
    %swap3A_100 = arith.constant 0 : index
    %swap3A_101 = vector.load %arg1[%swap3A_99, %swap3A_100] : memref<8x5120xf32, #tpu.memory_space<vmem>>, vector<1x5120xf32>
    tpu.vector_store %arg1[%swap3A_99, %swap3A_100], %select_n3A_56 {strides = array<i32>} : memref<8x5120xf32, #tpu.memory_space<vmem>>, vector<1x5120xf32>,
    %swap3A_102 = arith.constant 2 : index
    %swap3A_103 = arith.constant 0 : index
    %swap3A_104 = vector.load %arg1[%swap3A_102, %swap3A_103] : memref<8x5120xf32, #tpu.memory_space<vmem>>, vector<1x5120xf32>
    tpu.vector_store %arg1[%swap3A_102, %swap3A_103], %select_n3A_59 {strides = array<i32>} : memref<8x5120xf32, #tpu.memory_space<vmem>>, vector<1x5120xf32>,
    %swap3A_105 = arith.constant 3 : index
    %swap3A_106 = arith.constant 0 : index
    %swap3A_107 = vector.load %arg1[%swap3A_105, %swap3A_106] : memref<8x5120xf32, #tpu.memory_space<vmem>>, vector<1x5120xf32>
    tpu.vector_store %arg1[%swap3A_105, %swap3A_106], %select_n3A_62 {strides = array<i32>} : memref<8x5120xf32, #tpu.memory_space<vmem>>, vector<1x5120xf32>,
    %swap3A_108 = arith.constant 4 : index
    %swap3A_109 = arith.constant 0 : index
    %swap3A_110 = vector.load %arg1[%swap3A_108, %swap3A_109] : memref<8x5120xf32, #tpu.memory_space<vmem>>, vector<1x5120xf32>
    tpu.vector_store %arg1[%swap3A_108, %swap3A_109], %mul3A_65 {strides = array<i32>} : memref<8x5120xf32, #tpu.memory_space<vmem>>, vector<1x5120xf32>,
    %swap3A_111 = arith.constant 5 : index
    %swap3A_112 = arith.constant 0 : index
    %swap3A_113 = vector.load %arg1[%swap3A_111, %swap3A_112] : memref<8x5120xf32, #tpu.memory_space<vmem>>, vector<1x5120xf32>
    tpu.vector_store %arg1[%swap3A_111, %swap3A_112], %select_n3A_88 {strides = array<i32>} : memref<8x5120xf32, #tpu.memory_space<vmem>>, vector<1x5120xf32>,
    %swap3A_114 = arith.constant 6 : index
    %swap3A_115 = arith.constant 0 : index
    %swap3A_116 = vector.load %arg1[%swap3A_114, %swap3A_115] : memref<8x5120xf32, #tpu.memory_space<vmem>>, vector<1x5120xf32>
    tpu.vector_store %arg1[%swap3A_114, %swap3A_115], %broadcast_in_dim3A_81 {strides = array<i32>} : memref<8x5120xf32, #tpu.memory_space<vmem>>, vector<1x5120xf32>,
    %swap3A_117 = arith.constant 7 : index
    %swap3A_118 = arith.constant 0 : index
    %swap3A_119 = vector.load %arg1[%swap3A_117, %swap3A_118] : memref<8x5120xf32, #tpu.memory_space<vmem>>, vector<1x5120xf32>
    tpu.vector_store %arg1[%swap3A_117, %swap3A_118], %select_n3A_96 {strides = array<i32>} : memref<8x5120xf32, #tpu.memory_space<vmem>>, vector<1x5120xf32>,
    return
  }
}

module attributes {stable_mosaic.version = 14 : i64} {
  func.func @_ranks_kernel(%arg0: i32, %arg1: memref<8x5120xf32, #tpu.memory_space<vmem>>, %arg2: memref<8x512xf32, #tpu.memory_space<vmem>>, %arg3: memref<88x5120xf32, #tpu.memory_space<vmem>>) attributes {dimension_semantics = [#tpu.dimension_semantics<arbitrary>], iteration_bounds = array<i64: 10>, scalar_prefetch = 0 : i64, scratch_operands = 0 : i64, tpu.core_type = #tpu.core_type<tc>, window_params = [{pipeline_mode = #tpu.pipeline_mode<synchronous>, transform_indices = @transform_0, window_bounds = array<i64: 8, 5120>}, {transform_indices = @transform_1, window_bounds = array<i64: 8, 512>}, {pipeline_mode = #tpu.pipeline_mode<synchronous>, transform_indices = @transform_2, window_bounds = array<i64: 88, 5120>}]} {
    %get3A = arith.constant 5 : index
    %get3A_0 = arith.constant 0 : index
    %get3A_1 = vector.load %arg1[%get3A, %get3A_0] : memref<8x5120xf32, #tpu.memory_space<vmem>>, vector<1x5120xf32>
    %get3A_2 = arith.constant 5 : index
    %get3A_3 = arith.constant 0 : index
    %get3A_4 = vector.load %arg2[%get3A_2, %get3A_3] : memref<8x512xf32, #tpu.memory_space<vmem>>, vector<1x512xf32>
    %get3A_5 = arith.constant 6 : index
    %get3A_6 = arith.constant 0 : index
    %get3A_7 = vector.load %arg2[%get3A_5, %get3A_6] : memref<8x512xf32, #tpu.memory_space<vmem>>, vector<1x512xf32>
    %iota3A = tpu.iota {dimensions = array<i32: 0>} : vector<512x512xi32>
    %iota3A_8 = tpu.iota {dimensions = array<i32: 1>} : vector<512x512xi32>
    %eq3A = arith.cmpi eq, %iota3A, %iota3A_8 : vector<512x512xi32>
    %jit3A = arith.constant 1.000000e+00 : f32
    %jit3A_9 = arith.constant 0.000000e+00 : f32
    %broadcast_in_dim3A = vector.broadcast %jit3A : f32 to vector<512x512xf32>
    %broadcast_in_dim3A_10 = vector.broadcast %jit3A_9 : f32 to vector<512x512xf32>
    %select_n3A = arith.select %eq3A, %broadcast_in_dim3A, %broadcast_in_dim3A_10 : vector<512x512xi1>, vector<512x512xf32>
    %dot_general3A = arith.constant dense<0.000000e+00> : vector<512x1xf32>
    %dot_general3A_11 = tpu.matmul %select_n3A, %get3A_4, %dot_general3A {dimension_numbers = #tpu.dot_dimension_numbers<[1], [1], [0], [0], [0, 0, 1, 0], [], []>, precision = #tpu.contract_precision<fp32>, transpose_lhs_hint = false} : vector<512x512xf32>, vector<1x512xf32>, vector<512x1xf32> -> vector<512x1xf32>
    %convert_element_type3A = arith.sitofp %arg0 : i32 to f32
    %mul3A = arith.constant 5.120000e+02 : f32
    %mul3A_12 = arith.mulf %convert_element_type3A, %mul3A : f32
    %iota3A_13 = tpu.iota {dimensions = array<i32: 0>} : vector<512x1xi32>
    %convert_element_type3A_14 = arith.sitofp %iota3A_13 : vector<512x1xi32> to vector<512x1xf32>
    %add3A = vector.broadcast %mul3A_12 : f32 to vector<512x1xf32>
    %add3A_15 = arith.addf %convert_element_type3A_14, %add3A : vector<512x1xf32>
    %iota3A_16 = tpu.iota {dimensions = array<i32: 1>} : vector<1x5120xi32>
    %convert_element_type3A_17 = arith.sitofp %iota3A_16 : vector<1x5120xi32> to vector<1x5120xf32>
    %gt3A = vector.broadcast %dot_general3A_11 : vector<512x1xf32> to vector<512x5120xf32>
    %gt3A_18 = vector.broadcast %get3A_1 : vector<1x5120xf32> to vector<512x5120xf32>
    %gt3A_19 = arith.cmpf ogt, %gt3A, %gt3A_18 : vector<512x5120xf32>
    %eq3A_20 = vector.broadcast %dot_general3A_11 : vector<512x1xf32> to vector<512x5120xf32>
    %eq3A_21 = vector.broadcast %get3A_1 : vector<1x5120xf32> to vector<512x5120xf32>
    %eq3A_22 = arith.cmpf oeq, %eq3A_20, %eq3A_21 : vector<512x5120xf32>
    %lt3A = vector.broadcast %add3A_15 : vector<512x1xf32> to vector<512x5120xf32>
    %lt3A_23 = vector.broadcast %convert_element_type3A_17 : vector<1x5120xf32> to vector<512x5120xf32>
    %lt3A_24 = arith.cmpf olt, %lt3A, %lt3A_23 : vector<512x5120xf32>
    %and3A = arith.andi %eq3A_22, %lt3A_24 : vector<512x5120xi1>
    %or3A = arith.ori %gt3A_19, %and3A : vector<512x5120xi1>
    %jit3A_25 = arith.constant 1.000000e+00 : f32
    %jit3A_26 = arith.constant 0.000000e+00 : f32
    %broadcast_in_dim3A_27 = vector.broadcast %jit3A_25 : f32 to vector<512x5120xf32>
    %broadcast_in_dim3A_28 = vector.broadcast %jit3A_26 : f32 to vector<512x5120xf32>
    %select_n3A_29 = arith.select %or3A, %broadcast_in_dim3A_27, %broadcast_in_dim3A_28 : vector<512x5120xi1>, vector<512x5120xf32>
    %broadcast_in_dim3A_30 = arith.constant 1.000000e+00 : f32
    %broadcast_in_dim3A_31 = vector.broadcast %broadcast_in_dim3A_30 : f32 to vector<1x512xf32>
    %dot_general3A_32 = arith.constant dense<0.000000e+00> : vector<1x5120xf32>
    %dot_general3A_33 = tpu.matmul %broadcast_in_dim3A_31, %select_n3A_29, %dot_general3A_32 {dimension_numbers = #tpu.dot_dimension_numbers<[1], [0], [0], [1], [0, 0, 1, 1], [], []>, transpose_lhs_hint = false} : vector<1x512xf32>, vector<512x5120xf32>, vector<1x5120xf32> -> vector<1x5120xf32>
    %iota3A_34 = tpu.iota {dimensions = array<i32: 0>} : vector<80x1xi32>
    %convert_element_type3A_35 = arith.sitofp %iota3A_34 : vector<80x1xi32> to vector<80x1xf32>
    %eq3A_36 = vector.broadcast %get3A_7 : vector<1x512xf32> to vector<80x512xf32>
    %eq3A_37 = vector.broadcast %convert_element_type3A_35 : vector<80x1xf32> to vector<80x512xf32>
    %eq3A_38 = arith.cmpf oeq, %eq3A_36, %eq3A_37 : vector<80x512xf32>
    %jit3A_39 = arith.constant 1.000000e+00 : f32
    %jit3A_40 = arith.constant 0.000000e+00 : f32
    %broadcast_in_dim3A_41 = vector.broadcast %jit3A_39 : f32 to vector<80x512xf32>
    %broadcast_in_dim3A_42 = vector.broadcast %jit3A_40 : f32 to vector<80x512xf32>
    %select_n3A_43 = arith.select %eq3A_38, %broadcast_in_dim3A_41, %broadcast_in_dim3A_42 : vector<80x512xi1>, vector<80x512xf32>
    %dot_general3A_44 = arith.constant dense<0.000000e+00> : vector<80x5120xf32>
    %dot_general3A_45 = tpu.matmul %select_n3A_43, %select_n3A_29, %dot_general3A_44 {dimension_numbers = #tpu.dot_dimension_numbers<[1], [0], [0], [1], [0, 0, 1, 1], [], []>, transpose_lhs_hint = false} : vector<80x512xf32>, vector<512x5120xf32>, vector<80x5120xf32> -> vector<80x5120xf32>
    %broadcast_in_dim3A_46 = arith.constant 0.000000e+00 : f32
    %broadcast_in_dim3A_47 = vector.broadcast %broadcast_in_dim3A_46 : f32 to vector<7x5120xf32>
    %concatenate3A = tpu.concatenate %dot_general3A_33, %broadcast_in_dim3A_47, %dot_general3A_45 in 0 : vector<1x5120xf32>, vector<7x5120xf32>, vector<80x5120xf32> -> vector<88x5120xf32>
    %eq3A_48 = arith.constant 0 : i32
    %eq3A_49 = arith.cmpi eq, %arg0, %eq3A_48 : i32
    %convert_element_type3A_50 = arith.extui %eq3A_49 : i1 to i32
    %cond3A = arith.constant 0 : i32
    %cond3A_51 = arith.cmpi ne, %convert_element_type3A_50, %cond3A : i32
    scf.if %cond3A_51 {
      %broadcast_in_dim3A_58 = arith.constant 0.000000e+00 : f32
      %broadcast_in_dim3A_59 = vector.broadcast %broadcast_in_dim3A_58 : f32 to vector<88x5120xf32>
      %swap3A_60 = arith.constant 0 : index
      %swap3A_61 = arith.constant 0 : index
      %swap3A_62 = vector.load %arg3[%swap3A_60, %swap3A_61] : memref<88x5120xf32, #tpu.memory_space<vmem>>, vector<88x5120xf32>
      tpu.vector_store %arg3[%swap3A_60, %swap3A_61], %broadcast_in_dim3A_59 {strides = array<i32>} : memref<88x5120xf32, #tpu.memory_space<vmem>>, vector<88x5120xf32>,
    } else {
    }
    %get3A_52 = arith.constant 0 : index
    %get3A_53 = arith.constant 0 : index
    %get3A_54 = vector.load %arg3[%get3A_52, %get3A_53] : memref<88x5120xf32, #tpu.memory_space<vmem>>, vector<88x5120xf32>
    %add3A_55 = arith.addf %get3A_54, %concatenate3A : vector<88x5120xf32>
    %swap3A = arith.constant 0 : index
    %swap3A_56 = arith.constant 0 : index
    %swap3A_57 = vector.load %arg3[%swap3A, %swap3A_56] : memref<88x5120xf32, #tpu.memory_space<vmem>>, vector<88x5120xf32>
    tpu.vector_store %arg3[%swap3A, %swap3A_56], %add3A_55 {strides = array<i32>} : memref<88x5120xf32, #tpu.memory_space<vmem>>, vector<88x5120xf32>,
    return
  }
  func.func @transform_0(%arg0: i32) -> (i32, i32) {
    %c0_i32 = arith.constant 0 : i32
    %c0_i32_0 = arith.constant 0 : i32
    %c0_i32_1 = arith.constant 0 : i32
    return %c0_i32, %c0_i32_0 : i32, i32
  }
  func.func @transform_1(%arg0: i32) -> (i32, i32) {
    %c0_i32 = arith.constant 0 : i32
    %c0_i32_0 = arith.constant 0 : i32
    return %c0_i32, %arg0 : i32, i32
  }
  func.func @transform_2(%arg0: i32) -> (i32, i32) {
    %c0_i32 = arith.constant 0 : i32
    %c0_i32_0 = arith.constant 0 : i32
    %c0_i32_1 = arith.constant 0 : i32
    return %c0_i32, %c0_i32_0 : i32, i32
  }
}

module attributes {stable_mosaic.version = 14 : i64} {
  func.func @_nms_loop_kernel(%arg0: memref<8x5120xf32, #tpu.memory_space<vmem>>, %arg1: memref<88x5120xf32, #tpu.memory_space<vmem>>, %arg2: memref<8x5120xf32, #tpu.memory_space<vmem>>, %arg3: memref<128x80xf32, #tpu.memory_space<vmem>>, %arg4: memref<128x80xf32, #tpu.memory_space<vmem>>, %arg5: memref<128x80xf32, #tpu.memory_space<vmem>>, %arg6: memref<128x80xf32, #tpu.memory_space<vmem>>, %arg7: memref<128x80xf32, #tpu.memory_space<vmem>>) attributes {dimension_semantics = [], scalar_prefetch = 0 : i64, scratch_operands = 5 : i64, tpu.core_type = #tpu.core_type<tc>} {
    %get3A = arith.constant 0 : index
    %get3A_0 = arith.constant 0 : index
    %get3A_1 = vector.load %arg0[%get3A, %get3A_0] : memref<8x5120xf32, #tpu.memory_space<vmem>>, vector<1x5120xf32>
    %get3A_2 = arith.constant 1 : index
    %get3A_3 = arith.constant 0 : index
    %get3A_4 = vector.load %arg0[%get3A_2, %get3A_3] : memref<8x5120xf32, #tpu.memory_space<vmem>>, vector<1x5120xf32>
    %get3A_5 = arith.constant 2 : index
    %get3A_6 = arith.constant 0 : index
    %get3A_7 = vector.load %arg0[%get3A_5, %get3A_6] : memref<8x5120xf32, #tpu.memory_space<vmem>>, vector<1x5120xf32>
    %get3A_8 = arith.constant 3 : index
    %get3A_9 = arith.constant 0 : index
    %get3A_10 = vector.load %arg0[%get3A_8, %get3A_9] : memref<8x5120xf32, #tpu.memory_space<vmem>>, vector<1x5120xf32>
    %get3A_11 = arith.constant 5 : index
    %get3A_12 = arith.constant 0 : index
    %get3A_13 = vector.load %arg0[%get3A_11, %get3A_12] : memref<8x5120xf32, #tpu.memory_space<vmem>>, vector<1x5120xf32>
    %get3A_14 = arith.constant 6 : index
    %get3A_15 = arith.constant 0 : index
    %get3A_16 = vector.load %arg0[%get3A_14, %get3A_15] : memref<8x5120xf32, #tpu.memory_space<vmem>>, vector<1x5120xf32>
    %get3A_17 = arith.constant 7 : index
    %get3A_18 = arith.constant 0 : index
    %get3A_19 = vector.load %arg0[%get3A_17, %get3A_18] : memref<8x5120xf32, #tpu.memory_space<vmem>>, vector<1x5120xf32>
    %gt3A = arith.constant 5.000000e-01 : f32
    %gt3A_20 = vector.broadcast %gt3A : f32 to vector<1x5120xf32>
    %gt3A_21 = arith.cmpf ogt, %get3A_19, %gt3A_20 : vector<1x5120xf32>
    %iota3A = tpu.iota {dimensions = array<i32: 0>} : vector<80x1xi32>
    %convert_element_type3A = arith.sitofp %iota3A : vector<80x1xi32> to vector<80x1xf32>
    %eq3A = vector.broadcast %get3A_16 : vector<1x5120xf32> to vector<80x5120xf32>
    %eq3A_22 = vector.broadcast %convert_element_type3A : vector<80x1xf32> to vector<80x5120xf32>
    %eq3A_23 = arith.cmpf oeq, %eq3A, %eq3A_22 : vector<80x5120xf32>
    %jit3A = arith.constant 1.000000e+00 : f32
    %jit3A_24 = arith.constant 0.000000e+00 : f32
    %broadcast_in_dim3A = vector.broadcast %jit3A : f32 to vector<80x5120xf32>
    %broadcast_in_dim3A_25 = vector.broadcast %jit3A_24 : f32 to vector<80x5120xf32>
    %select_n3A = arith.select %eq3A_23, %broadcast_in_dim3A, %broadcast_in_dim3A_25 : vector<80x5120xi1>, vector<80x5120xf32>
    %get3A_26 = arith.constant 8 : index
    %get3A_27 = arith.constant 0 : index
    %get3A_28 = vector.load %arg1[%get3A_26, %get3A_27] : memref<88x5120xf32, #tpu.memory_space<vmem>>, vector<80x5120xf32>
    %mul3A = arith.mulf %select_n3A, %get3A_28 : vector<80x5120xf32>
    %reduce_sum3A = arith.constant dense<0.000000e+00> : vector<5120xf32>
    %reduce_sum3A_29 = vector.multi_reduction <add>, %mul3A, %reduce_sum3A [0] : vector<80x5120xf32> to vector<5120xf32>
    %broadcast_in_dim3A_30 = vector.shape_cast %reduce_sum3A_29 : vector<5120xf32> to vector<1x5120xf32>
    %jit3A_31 = arith.constant -1.000000e+00 : f32
    %broadcast_in_dim3A_32 = vector.broadcast %jit3A_31 : f32 to vector<1x5120xf32>
    %select_n3A_33 = arith.select %gt3A_21, %broadcast_in_dim3A_30, %broadcast_in_dim3A_32 : vector<1x5120xi1>, vector<1x5120xf32>
    %reduce_max3A = vector.shape_cast %select_n3A_33 : vector<1x5120xf32> to vector<1x1x5120xf32>
    %reduce_max3A_34 = arith.constant dense<0xFF800000> : vector<1xf32>
    %reduce_max3A_35 = vector.multi_reduction <maximumf>, %reduce_max3A, %reduce_max3A_34 [1, 2] : vector<1x1x5120xf32> to vector<1xf32>
    %reduce_max3A_36 = vector.shape_cast %reduce_max3A_35 : vector<1xf32> to vector<1x1x1xf32>
    %reduce_max3A_37 = vector.extract %reduce_max3A_36[0, 0, 0] : f32 from vector<1x1x1xf32>
    %add3A = arith.constant 1.000000e+00 : f32
    %add3A_38 = arith.addf %reduce_max3A_37, %add3A : f32
    %convert_element_type3A_39 = arith.fptosi %add3A_38 : f32 to i32
    %add3A_40 = arith.constant 128 : i32
    %add3A_41 = arith.addi %convert_element_type3A_39, %add3A_40 : i32
    %sub3A = arith.constant 1 : i32
    %sub3A_42 = arith.subi %add3A_41, %sub3A : i32
    %jit3A_43 = arith.constant 128 : i32
    %div3A = arith.divsi %sub3A_42, %jit3A_43 : i32
    %sign3A = arith.constant 0 : i32
    %sign3A_44 = arith.cmpi sgt, %sub3A_42, %sign3A : i32
    %sign3A_45 = arith.extui %sign3A_44 : i1 to i32
    %sign3A_46 = arith.constant 0 : i32
    %sign3A_47 = arith.cmpi slt, %sub3A_42, %sign3A_46 : i32
    %sign3A_48 = arith.extui %sign3A_47 : i1 to i32
    %sign3A_49 = arith.subi %sign3A_45, %sign3A_48 : i32
    %sign3A_50 = arith.constant 0 : i32
    %sign3A_51 = arith.cmpi sgt, %jit3A_43, %sign3A_50 : i32
    %sign3A_52 = arith.extui %sign3A_51 : i1 to i32
    %sign3A_53 = arith.constant 0 : i32
    %sign3A_54 = arith.cmpi slt, %jit3A_43, %sign3A_53 : i32
    %sign3A_55 = arith.extui %sign3A_54 : i1 to i32
    %sign3A_56 = arith.subi %sign3A_52, %sign3A_55 : i32
    %ne3A = arith.cmpi ne, %sign3A_49, %sign3A_56 : i32
    %rem3A = arith.remsi %sub3A_42, %jit3A_43 : i32
    %ne3A_57 = arith.constant 0 : i32
    %ne3A_58 = arith.cmpi ne, %rem3A, %ne3A_57 : i32
    %and3A = arith.andi %ne3A, %ne3A_58 : i1
    %sub3A_59 = arith.constant 1 : i32
    %sub3A_60 = arith.subi %div3A, %sub3A_59 : i32
    %select_n3A_61 = arith.select %and3A, %sub3A_60, %div3A : i32
    %iota3A_62 = tpu.iota {dimensions = array<i32: 0>} : vector<128x1xi32>
    %convert_element_type3A_63 = arith.sitofp %iota3A_62 : vector<128x1xi32> to vector<128x1xf32>
    %while3A = arith.constant 0 : i32
    %while3A_64 = arith.subi %select_n3A_61, %while3A : i32
    %while3A_65 = arith.addi %while3A, %while3A_64 : i32
    %while3A_66 = arith.constant 1 : i32
    %while3A_67 = arith.divsi %while3A_64, %while3A_66 : i32
    %while3A_68 = arith.muli %while3A_67, %while3A_66 : i32
    %while3A_69 = arith.addi %while3A, %while3A_68 : i32
    %while3A_70 = arith.constant 1 : i32
    %while3A_71 = scf.for %while3A_102 = %while3A to %while3A_69 step %while3A_70 iter_args(%while3A_103 = %get3A_19) -> (vector<1x5120xf32>)  : i32 {
      %convert_element_type3A_104 = arith.sitofp %while3A_102 : i32 to f32
      %mul3A_105 = arith.constant 1.280000e+02 : f32
      %mul3A_106 = arith.mulf %convert_element_type3A_104, %mul3A_105 : f32
      %add3A_107 = vector.broadcast %mul3A_106 : f32 to vector<128x1xf32>
      %add3A_108 = arith.addf %convert_element_type3A_63, %add3A_107 : vector<128x1xf32>
      %eq3A_109 = vector.broadcast %broadcast_in_dim3A_30 : vector<1x5120xf32> to vector<128x5120xf32>
      %eq3A_110 = vector.broadcast %add3A_108 : vector<128x1xf32> to vector<128x5120xf32>
      %eq3A_111 = arith.cmpf oeq, %eq3A_109, %eq3A_110 : vector<128x5120xf32>
      %jit3A_112 = arith.constant 1.000000e+00 : f32
      %jit3A_113 = arith.constant 0.000000e+00 : f32
      %broadcast_in_dim3A_114 = vector.broadcast %jit3A_112 : f32 to vector<128x5120xf32>
      %broadcast_in_dim3A_115 = vector.broadcast %jit3A_113 : f32 to vector<128x5120xf32>
      %select_n3A_116 = arith.select %eq3A_111, %broadcast_in_dim3A_114, %broadcast_in_dim3A_115 : vector<128x5120xi1>, vector<128x5120xf32>
      %mul3A_117 = vector.broadcast %get3A_1 : vector<1x5120xf32> to vector<128x5120xf32>
      %mul3A_118 = arith.mulf %select_n3A_116, %mul3A_117 : vector<128x5120xf32>
      %dot_general3A = arith.constant dense<0.000000e+00> : vector<128x80xf32>
      %dot_general3A_119 = tpu.matmul %mul3A_118, %select_n3A, %dot_general3A {dimension_numbers = #tpu.dot_dimension_numbers<[1], [1], [0], [0], [0, 0, 1, 0], [], []>, precision = #tpu.contract_precision<fp32>, transpose_lhs_hint = false} : vector<128x5120xf32>, vector<80x5120xf32>, vector<128x80xf32> -> vector<128x80xf32>
      %mul3A_120 = vector.broadcast %get3A_4 : vector<1x5120xf32> to vector<128x5120xf32>
      %mul3A_121 = arith.mulf %select_n3A_116, %mul3A_120 : vector<128x5120xf32>
      %dot_general3A_122 = arith.constant dense<0.000000e+00> : vector<128x80xf32>
      %dot_general3A_123 = tpu.matmul %mul3A_121, %select_n3A, %dot_general3A_122 {dimension_numbers = #tpu.dot_dimension_numbers<[1], [1], [0], [0], [0, 0, 1, 0], [], []>, precision = #tpu.contract_precision<fp32>, transpose_lhs_hint = false} : vector<128x5120xf32>, vector<80x5120xf32>, vector<128x80xf32> -> vector<128x80xf32>
      %mul3A_124 = vector.broadcast %get3A_7 : vector<1x5120xf32> to vector<128x5120xf32>
      %mul3A_125 = arith.mulf %select_n3A_116, %mul3A_124 : vector<128x5120xf32>
      %dot_general3A_126 = arith.constant dense<0.000000e+00> : vector<128x80xf32>
      %dot_general3A_127 = tpu.matmul %mul3A_125, %select_n3A, %dot_general3A_126 {dimension_numbers = #tpu.dot_dimension_numbers<[1], [1], [0], [0], [0, 0, 1, 0], [], []>, precision = #tpu.contract_precision<fp32>, transpose_lhs_hint = false} : vector<128x5120xf32>, vector<80x5120xf32>, vector<128x80xf32> -> vector<128x80xf32>
      %mul3A_128 = vector.broadcast %get3A_10 : vector<1x5120xf32> to vector<128x5120xf32>
      %mul3A_129 = arith.mulf %select_n3A_116, %mul3A_128 : vector<128x5120xf32>
      %dot_general3A_130 = arith.constant dense<0.000000e+00> : vector<128x80xf32>
      %dot_general3A_131 = tpu.matmul %mul3A_129, %select_n3A, %dot_general3A_130 {dimension_numbers = #tpu.dot_dimension_numbers<[1], [1], [0], [0], [0, 0, 1, 0], [], []>, precision = #tpu.contract_precision<fp32>, transpose_lhs_hint = false} : vector<128x5120xf32>, vector<80x5120xf32>, vector<128x80xf32> -> vector<128x80xf32>
      %mul3A_132 = vector.broadcast %while3A_103 : vector<1x5120xf32> to vector<128x5120xf32>
      %mul3A_133 = arith.mulf %select_n3A_116, %mul3A_132 : vector<128x5120xf32>
      %dot_general3A_134 = arith.constant dense<0.000000e+00> : vector<128x80xf32>
      %dot_general3A_135 = tpu.matmul %mul3A_133, %select_n3A, %dot_general3A_134 {dimension_numbers = #tpu.dot_dimension_numbers<[1], [1], [0], [0], [0, 0, 1, 0], [], []>, precision = #tpu.contract_precision<fp32>, transpose_lhs_hint = false} : vector<128x5120xf32>, vector<80x5120xf32>, vector<128x80xf32> -> vector<128x80xf32>
      %swap3A_136 = arith.constant 0 : index
      %swap3A_137 = arith.constant 0 : index
      %swap3A_138 = vector.load %arg3[%swap3A_136, %swap3A_137] : memref<128x80xf32, #tpu.memory_space<vmem>>, vector<128x80xf32>
      tpu.vector_store %arg3[%swap3A_136, %swap3A_137], %dot_general3A_119 {strides = array<i32>} : memref<128x80xf32, #tpu.memory_space<vmem>>, vector<128x80xf32>,
      %swap3A_139 = arith.constant 0 : index
      %swap3A_140 = arith.constant 0 : index
      %swap3A_141 = vector.load %arg4[%swap3A_139, %swap3A_140] : memref<128x80xf32, #tpu.memory_space<vmem>>, vector<128x80xf32>
      tpu.vector_store %arg4[%swap3A_139, %swap3A_140], %dot_general3A_123 {strides = array<i32>} : memref<128x80xf32, #tpu.memory_space<vmem>>, vector<128x80xf32>,
      %swap3A_142 = arith.constant 0 : index
      %swap3A_143 = arith.constant 0 : index
      %swap3A_144 = vector.load %arg5[%swap3A_142, %swap3A_143] : memref<128x80xf32, #tpu.memory_space<vmem>>, vector<128x80xf32>
      tpu.vector_store %arg5[%swap3A_142, %swap3A_143], %dot_general3A_127 {strides = array<i32>} : memref<128x80xf32, #tpu.memory_space<vmem>>, vector<128x80xf32>,
      %swap3A_145 = arith.constant 0 : index
      %swap3A_146 = arith.constant 0 : index
      %swap3A_147 = vector.load %arg6[%swap3A_145, %swap3A_146] : memref<128x80xf32, #tpu.memory_space<vmem>>, vector<128x80xf32>
      tpu.vector_store %arg6[%swap3A_145, %swap3A_146], %dot_general3A_131 {strides = array<i32>} : memref<128x80xf32, #tpu.memory_space<vmem>>, vector<128x80xf32>,
      %swap3A_148 = arith.constant 0 : index
      %swap3A_149 = arith.constant 0 : index
      %swap3A_150 = vector.load %arg7[%swap3A_148, %swap3A_149] : memref<128x80xf32, #tpu.memory_space<vmem>>, vector<128x80xf32>
      tpu.vector_store %arg7[%swap3A_148, %swap3A_149], %dot_general3A_135 {strides = array<i32>} : memref<128x80xf32, #tpu.memory_space<vmem>>, vector<128x80xf32>,
      %sub3A_151 = arith.subf %dot_general3A_127, %dot_general3A_119 : vector<128x80xf32>
      %sub3A_152 = arith.subf %dot_general3A_131, %dot_general3A_123 : vector<128x80xf32>
      %mul3A_153 = arith.mulf %sub3A_151, %sub3A_152 : vector<128x80xf32>
      %mul3A_154 = arith.constant 128 : i32
      %mul3A_155 = arith.muli %while3A_102, %mul3A_154 : i32
      %sub3A_156 = arith.subi %convert_element_type3A_39, %mul3A_155 : i32
      %min3A = arith.constant 128 : i32
      %min3A_157 = arith.minsi %sub3A_156, %min3A : i32
      %while3A_158 = arith.constant 0 : i32
      %while3A_159 = arith.constant 0 : i32
      %while3A_160 = arith.subi %min3A_157, %while3A_159 : i32
      %while3A_161 = arith.addi %while3A_159, %while3A_160 : i32
      %while3A_162 = arith.constant 1 : i32
      %while3A_163 = arith.divsi %while3A_160, %while3A_162 : i32
      %while3A_164 = arith.muli %while3A_163, %while3A_162 : i32
      %while3A_165 = arith.addi %while3A_159, %while3A_164 : i32
      %while3A_166 = arith.constant 1 : i32
      scf.for %while3A_189 = %while3A_159 to %while3A_165 step %while3A_166  : i32 {
        %get3A_190 = arith.index_cast %while3A_189 : i32 to index
        %get3A_191 = arith.constant 0 : index
        %get3A_192 = vector.load %arg3[%get3A_190, %get3A_191] : memref<128x80xf32, #tpu.memory_space<vmem>>, vector<1x80xf32>
        %get3A_193 = arith.index_cast %while3A_189 : i32 to index
        %get3A_194 = arith.constant 0 : index
        %get3A_195 = vector.load %arg4[%get3A_193, %get3A_194] : memref<128x80xf32, #tpu.memory_space<vmem>>, vector<1x80xf32>
        %get3A_196 = arith.index_cast %while3A_189 : i32 to index
        %get3A_197 = arith.constant 0 : index
        %get3A_198 = vector.load %arg5[%get3A_196, %get3A_197] : memref<128x80xf32, #tpu.memory_space<vmem>>, vector<1x80xf32>
        %get3A_199 = arith.index_cast %while3A_189 : i32 to index
        %get3A_200 = arith.constant 0 : index
        %get3A_201 = vector.load %arg6[%get3A_199, %get3A_200] : memref<128x80xf32, #tpu.memory_space<vmem>>, vector<1x80xf32>
        %get3A_202 = arith.index_cast %while3A_189 : i32 to index
        %get3A_203 = arith.constant 0 : index
        %get3A_204 = vector.load %arg7[%get3A_202, %get3A_203] : memref<128x80xf32, #tpu.memory_space<vmem>>, vector<1x80xf32>
        %get3A_205 = arith.constant 0 : index
        %get3A_206 = arith.constant 0 : index
        %get3A_207 = vector.load %arg7[%get3A_205, %get3A_206] : memref<128x80xf32, #tpu.memory_space<vmem>>, vector<128x80xf32>
        %max3A = vector.broadcast %get3A_192 : vector<1x80xf32> to vector<128x80xf32>
        %max3A_208 = arith.maximumf %max3A, %dot_general3A_119 : vector<128x80xf32>
        %max3A_209 = vector.broadcast %get3A_195 : vector<1x80xf32> to vector<128x80xf32>
        %max3A_210 = arith.maximumf %max3A_209, %dot_general3A_123 : vector<128x80xf32>
        %min3A_211 = vector.broadcast %get3A_198 : vector<1x80xf32> to vector<128x80xf32>
        %min3A_212 = arith.minimumf %min3A_211, %dot_general3A_127 : vector<128x80xf32>
        %min3A_213 = vector.broadcast %get3A_201 : vector<1x80xf32> to vector<128x80xf32>
        %min3A_214 = arith.minimumf %min3A_213, %dot_general3A_131 : vector<128x80xf32>
        %sub3A_215 = arith.subf %min3A_212, %max3A_208 : vector<128x80xf32>
        %max3A_216 = arith.constant 0.000000e+00 : f32
        %max3A_217 = vector.broadcast %max3A_216 : f32 to vector<128x80xf32>
        %max3A_218 = arith.maximumf %sub3A_215, %max3A_217 : vector<128x80xf32>
        %sub3A_219 = arith.subf %min3A_214, %max3A_210 : vector<128x80xf32>
        %max3A_220 = arith.constant 0.000000e+00 : f32
        %max3A_221 = vector.broadcast %max3A_220 : f32 to vector<128x80xf32>
        %max3A_222 = arith.maximumf %sub3A_219, %max3A_221 : vector<128x80xf32>
        %mul3A_223 = arith.mulf %max3A_218, %max3A_222 : vector<128x80xf32>
        %sub3A_224 = arith.subf %get3A_198, %get3A_192 : vector<1x80xf32>
        %sub3A_225 = arith.subf %get3A_201, %get3A_195 : vector<1x80xf32>
        %mul3A_226 = arith.mulf %sub3A_224, %sub3A_225 : vector<1x80xf32>
        %add3A_227 = vector.broadcast %mul3A_226 : vector<1x80xf32> to vector<128x80xf32>
        %add3A_228 = arith.addf %add3A_227, %mul3A_153 : vector<128x80xf32>
        %sub3A_229 = arith.subf %add3A_228, %mul3A_223 : vector<128x80xf32>
        %add3A_230 = arith.constant 9.99999971E-10 : f32
        %add3A_231 = vector.broadcast %add3A_230 : f32 to vector<128x80xf32>
        %add3A_232 = arith.addf %sub3A_229, %add3A_231 : vector<128x80xf32>
        %div3A_233 = arith.divf %mul3A_223, %add3A_232 : vector<128x80xf32>
        %convert_element_type3A_234 = arith.sitofp %while3A_189 : i32 to f32
        %gt3A_235 = vector.broadcast %convert_element_type3A_234 : f32 to vector<128x1xf32>
        %gt3A_236 = arith.cmpf ogt, %convert_element_type3A_63, %gt3A_235 : vector<128x1xf32>
        %gt3A_237 = arith.constant 4.500000e-01 : f32
        %gt3A_238 = vector.broadcast %gt3A_237 : f32 to vector<128x80xf32>
        %gt3A_239 = arith.cmpf ogt, %div3A_233, %gt3A_238 : vector<128x80xf32>
        %gt3A_240 = arith.constant 5.000000e-01 : f32
        %gt3A_241 = vector.broadcast %gt3A_240 : f32 to vector<1x80xf32>
        %gt3A_242 = arith.cmpf ogt, %get3A_204, %gt3A_241 : vector<1x80xf32>
        %and3A_243 = vector.broadcast %gt3A_242 : vector<1x80xi1> to vector<128x80xi1>
        %and3A_244 = arith.andi %gt3A_239, %and3A_243 : vector<128x80xi1>
        %and3A_245 = vector.broadcast %gt3A_236 : vector<128x1xi1> to vector<128x80xi1>
        %and3A_246 = arith.andi %and3A_244, %and3A_245 : vector<128x80xi1>
        %jit3A_247 = arith.constant 0.000000e+00 : f32
        %jit3A_248 = arith.constant 1.000000e+00 : f32
        %broadcast_in_dim3A_249 = vector.broadcast %jit3A_247 : f32 to vector<128x80xf32>
        %broadcast_in_dim3A_250 = vector.broadcast %jit3A_248 : f32 to vector<128x80xf32>
        %select_n3A_251 = arith.select %and3A_246, %broadcast_in_dim3A_249, %broadcast_in_dim3A_250 : vector<128x80xi1>, vector<128x80xf32>
        %mul3A_252 = arith.mulf %get3A_207, %select_n3A_251 : vector<128x80xf32>
        %swap3A_253 = arith.constant 0 : index
        %swap3A_254 = arith.constant 0 : index
        %swap3A_255 = vector.load %arg7[%swap3A_253, %swap3A_254] : memref<128x80xf32, #tpu.memory_space<vmem>>, vector<128x80xf32>
        tpu.vector_store %arg7[%swap3A_253, %swap3A_254], %mul3A_252 {strides = array<i32>} : memref<128x80xf32, #tpu.memory_space<vmem>>, vector<128x80xf32>,
      }
      %while3A_167 = arith.constant 1 : i32
      scf.for %while3A_189 = %while3A_165 to %while3A_161 step %while3A_167  : i32 {
        %get3A_190 = arith.index_cast %while3A_189 : i32 to index
        %get3A_191 = arith.constant 0 : index
        %get3A_192 = vector.load %arg3[%get3A_190, %get3A_191] : memref<128x80xf32, #tpu.memory_space<vmem>>, vector<1x80xf32>
        %get3A_193 = arith.index_cast %while3A_189 : i32 to index
        %get3A_194 = arith.constant 0 : index
        %get3A_195 = vector.load %arg4[%get3A_193, %get3A_194] : memref<128x80xf32, #tpu.memory_space<vmem>>, vector<1x80xf32>
        %get3A_196 = arith.index_cast %while3A_189 : i32 to index
        %get3A_197 = arith.constant 0 : index
        %get3A_198 = vector.load %arg5[%get3A_196, %get3A_197] : memref<128x80xf32, #tpu.memory_space<vmem>>, vector<1x80xf32>
        %get3A_199 = arith.index_cast %while3A_189 : i32 to index
        %get3A_200 = arith.constant 0 : index
        %get3A_201 = vector.load %arg6[%get3A_199, %get3A_200] : memref<128x80xf32, #tpu.memory_space<vmem>>, vector<1x80xf32>
        %get3A_202 = arith.index_cast %while3A_189 : i32 to index
        %get3A_203 = arith.constant 0 : index
        %get3A_204 = vector.load %arg7[%get3A_202, %get3A_203] : memref<128x80xf32, #tpu.memory_space<vmem>>, vector<1x80xf32>
        %get3A_205 = arith.constant 0 : index
        %get3A_206 = arith.constant 0 : index
        %get3A_207 = vector.load %arg7[%get3A_205, %get3A_206] : memref<128x80xf32, #tpu.memory_space<vmem>>, vector<128x80xf32>
        %max3A = vector.broadcast %get3A_192 : vector<1x80xf32> to vector<128x80xf32>
        %max3A_208 = arith.maximumf %max3A, %dot_general3A_119 : vector<128x80xf32>
        %max3A_209 = vector.broadcast %get3A_195 : vector<1x80xf32> to vector<128x80xf32>
        %max3A_210 = arith.maximumf %max3A_209, %dot_general3A_123 : vector<128x80xf32>
        %min3A_211 = vector.broadcast %get3A_198 : vector<1x80xf32> to vector<128x80xf32>
        %min3A_212 = arith.minimumf %min3A_211, %dot_general3A_127 : vector<128x80xf32>
        %min3A_213 = vector.broadcast %get3A_201 : vector<1x80xf32> to vector<128x80xf32>
        %min3A_214 = arith.minimumf %min3A_213, %dot_general3A_131 : vector<128x80xf32>
        %sub3A_215 = arith.subf %min3A_212, %max3A_208 : vector<128x80xf32>
        %max3A_216 = arith.constant 0.000000e+00 : f32
        %max3A_217 = vector.broadcast %max3A_216 : f32 to vector<128x80xf32>
        %max3A_218 = arith.maximumf %sub3A_215, %max3A_217 : vector<128x80xf32>
        %sub3A_219 = arith.subf %min3A_214, %max3A_210 : vector<128x80xf32>
        %max3A_220 = arith.constant 0.000000e+00 : f32
        %max3A_221 = vector.broadcast %max3A_220 : f32 to vector<128x80xf32>
        %max3A_222 = arith.maximumf %sub3A_219, %max3A_221 : vector<128x80xf32>
        %mul3A_223 = arith.mulf %max3A_218, %max3A_222 : vector<128x80xf32>
        %sub3A_224 = arith.subf %get3A_198, %get3A_192 : vector<1x80xf32>
        %sub3A_225 = arith.subf %get3A_201, %get3A_195 : vector<1x80xf32>
        %mul3A_226 = arith.mulf %sub3A_224, %sub3A_225 : vector<1x80xf32>
        %add3A_227 = vector.broadcast %mul3A_226 : vector<1x80xf32> to vector<128x80xf32>
        %add3A_228 = arith.addf %add3A_227, %mul3A_153 : vector<128x80xf32>
        %sub3A_229 = arith.subf %add3A_228, %mul3A_223 : vector<128x80xf32>
        %add3A_230 = arith.constant 9.99999971E-10 : f32
        %add3A_231 = vector.broadcast %add3A_230 : f32 to vector<128x80xf32>
        %add3A_232 = arith.addf %sub3A_229, %add3A_231 : vector<128x80xf32>
        %div3A_233 = arith.divf %mul3A_223, %add3A_232 : vector<128x80xf32>
        %convert_element_type3A_234 = arith.sitofp %while3A_189 : i32 to f32
        %gt3A_235 = vector.broadcast %convert_element_type3A_234 : f32 to vector<128x1xf32>
        %gt3A_236 = arith.cmpf ogt, %convert_element_type3A_63, %gt3A_235 : vector<128x1xf32>
        %gt3A_237 = arith.constant 4.500000e-01 : f32
        %gt3A_238 = vector.broadcast %gt3A_237 : f32 to vector<128x80xf32>
        %gt3A_239 = arith.cmpf ogt, %div3A_233, %gt3A_238 : vector<128x80xf32>
        %gt3A_240 = arith.constant 5.000000e-01 : f32
        %gt3A_241 = vector.broadcast %gt3A_240 : f32 to vector<1x80xf32>
        %gt3A_242 = arith.cmpf ogt, %get3A_204, %gt3A_241 : vector<1x80xf32>
        %and3A_243 = vector.broadcast %gt3A_242 : vector<1x80xi1> to vector<128x80xi1>
        %and3A_244 = arith.andi %gt3A_239, %and3A_243 : vector<128x80xi1>
        %and3A_245 = vector.broadcast %gt3A_236 : vector<128x1xi1> to vector<128x80xi1>
        %and3A_246 = arith.andi %and3A_244, %and3A_245 : vector<128x80xi1>
        %jit3A_247 = arith.constant 0.000000e+00 : f32
        %jit3A_248 = arith.constant 1.000000e+00 : f32
        %broadcast_in_dim3A_249 = vector.broadcast %jit3A_247 : f32 to vector<128x80xf32>
        %broadcast_in_dim3A_250 = vector.broadcast %jit3A_248 : f32 to vector<128x80xf32>
        %select_n3A_251 = arith.select %and3A_246, %broadcast_in_dim3A_249, %broadcast_in_dim3A_250 : vector<128x80xi1>, vector<128x80xf32>
        %mul3A_252 = arith.mulf %get3A_207, %select_n3A_251 : vector<128x80xf32>
        %swap3A_253 = arith.constant 0 : index
        %swap3A_254 = arith.constant 0 : index
        %swap3A_255 = vector.load %arg7[%swap3A_253, %swap3A_254] : memref<128x80xf32, #tpu.memory_space<vmem>>, vector<128x80xf32>
        tpu.vector_store %arg7[%swap3A_253, %swap3A_254], %mul3A_252 {strides = array<i32>} : memref<128x80xf32, #tpu.memory_space<vmem>>, vector<128x80xf32>,
      }
      %get3A_168 = arith.constant 0 : index
      %get3A_169 = arith.constant 0 : index
      %get3A_170 = vector.load %arg7[%get3A_168, %get3A_169] : memref<128x80xf32, #tpu.memory_space<vmem>>, vector<128x80xf32>
      %dot_general3A_171 = arith.constant dense<0.000000e+00> : vector<128x5120xf32>
      %dot_general3A_172 = tpu.matmul %get3A_170, %select_n3A, %dot_general3A_171 {dimension_numbers = #tpu.dot_dimension_numbers<[1], [0], [0], [1], [0, 0, 1, 1], [], []>, transpose_lhs_hint = false} : vector<128x80xf32>, vector<80x5120xf32>, vector<128x5120xf32> -> vector<128x5120xf32>
      %reduce_sum3A_173 = arith.constant dense<0.000000e+00> : vector<5120xf32>
      %reduce_sum3A_174 = vector.multi_reduction <add>, %select_n3A_116, %reduce_sum3A_173 [0] : vector<128x5120xf32> to vector<5120xf32>
      %broadcast_in_dim3A_175 = vector.shape_cast %reduce_sum3A_174 : vector<5120xf32> to vector<1x5120xf32>
      %mul3A_176 = arith.mulf %select_n3A_116, %dot_general3A_172 : vector<128x5120xf32>
      %reduce_sum3A_177 = arith.constant dense<0.000000e+00> : vector<5120xf32>
      %reduce_sum3A_178 = vector.multi_reduction <add>, %mul3A_176, %reduce_sum3A_177 [0] : vector<128x5120xf32> to vector<5120xf32>
      %broadcast_in_dim3A_179 = vector.shape_cast %reduce_sum3A_178 : vector<5120xf32> to vector<1x5120xf32>
      %gt3A_180 = arith.constant 5.000000e-01 : f32
      %gt3A_181 = vector.broadcast %gt3A_180 : f32 to vector<1x5120xf32>
      %gt3A_182 = arith.cmpf ogt, %broadcast_in_dim3A_175, %gt3A_181 : vector<1x5120xf32>
      %select_n3A_183 = arith.select %gt3A_182, %broadcast_in_dim3A_179, %while3A_103 : vector<1x5120xi1>, vector<1x5120xf32>
      %add3A_184 = arith.constant 1 : i32
      %add3A_185 = arith.addi %while3A_102, %add3A_184 : i32
      %lt3A = arith.cmpi slt, %add3A_185, %select_n3A_61 : i32
      %convert_element_type3A_186 = arith.extui %lt3A : i1 to i32
      %cond3A = arith.constant 0 : i32
      %cond3A_187 = arith.cmpi ne, %convert_element_type3A_186, %cond3A : i32
      %cond3A_188 = scf.if %cond3A_187 -> (vector<1x5120xf32>) {
        %dot_general3A_189 = arith.constant dense<0.000000e+00> : vector<128x5120xf32>
        %dot_general3A_190 = tpu.matmul %dot_general3A_119, %select_n3A, %dot_general3A_189 {dimension_numbers = #tpu.dot_dimension_numbers<[1], [0], [0], [1], [0, 0, 1, 1], [], []>, precision = #tpu.contract_precision<fp32>, transpose_lhs_hint = false} : vector<128x80xf32>, vector<80x5120xf32>, vector<128x5120xf32> -> vector<128x5120xf32>
        %dot_general3A_191 = arith.constant dense<0.000000e+00> : vector<128x5120xf32>
        %dot_general3A_192 = tpu.matmul %dot_general3A_123, %select_n3A, %dot_general3A_191 {dimension_numbers = #tpu.dot_dimension_numbers<[1], [0], [0], [1], [0, 0, 1, 1], [], []>, precision = #tpu.contract_precision<fp32>, transpose_lhs_hint = false} : vector<128x80xf32>, vector<80x5120xf32>, vector<128x5120xf32> -> vector<128x5120xf32>
        %dot_general3A_193 = arith.constant dense<0.000000e+00> : vector<128x5120xf32>
        %dot_general3A_194 = tpu.matmul %dot_general3A_127, %select_n3A, %dot_general3A_193 {dimension_numbers = #tpu.dot_dimension_numbers<[1], [0], [0], [1], [0, 0, 1, 1], [], []>, precision = #tpu.contract_precision<fp32>, transpose_lhs_hint = false} : vector<128x80xf32>, vector<80x5120xf32>, vector<128x5120xf32> -> vector<128x5120xf32>
        %dot_general3A_195 = arith.constant dense<0.000000e+00> : vector<128x5120xf32>
        %dot_general3A_196 = tpu.matmul %dot_general3A_131, %select_n3A, %dot_general3A_195 {dimension_numbers = #tpu.dot_dimension_numbers<[1], [0], [0], [1], [0, 0, 1, 1], [], []>, precision = #tpu.contract_precision<fp32>, transpose_lhs_hint = false} : vector<128x80xf32>, vector<80x5120xf32>, vector<128x5120xf32> -> vector<128x5120xf32>
        %sub3A_197 = arith.subf %dot_general3A_194, %dot_general3A_190 : vector<128x5120xf32>
        %sub3A_198 = arith.subf %dot_general3A_196, %dot_general3A_192 : vector<128x5120xf32>
        %mul3A_199 = arith.mulf %sub3A_197, %sub3A_198 : vector<128x5120xf32>
        %max3A = vector.broadcast %get3A_1 : vector<1x5120xf32> to vector<128x5120xf32>
        %max3A_200 = arith.maximumf %dot_general3A_190, %max3A : vector<128x5120xf32>
        %max3A_201 = vector.broadcast %get3A_4 : vector<1x5120xf32> to vector<128x5120xf32>
        %max3A_202 = arith.maximumf %dot_general3A_192, %max3A_201 : vector<128x5120xf32>
        %min3A_203 = vector.broadcast %get3A_7 : vector<1x5120xf32> to vector<128x5120xf32>
        %min3A_204 = arith.minimumf %dot_general3A_194, %min3A_203 : vector<128x5120xf32>
        %min3A_205 = vector.broadcast %get3A_10 : vector<1x5120xf32> to vector<128x5120xf32>
        %min3A_206 = arith.minimumf %dot_general3A_196, %min3A_205 : vector<128x5120xf32>
        %sub3A_207 = arith.subf %min3A_204, %max3A_200 : vector<128x5120xf32>
        %max3A_208 = arith.constant 0.000000e+00 : f32
        %max3A_209 = vector.broadcast %max3A_208 : f32 to vector<128x5120xf32>
        %max3A_210 = arith.maximumf %sub3A_207, %max3A_209 : vector<128x5120xf32>
        %sub3A_211 = arith.subf %min3A_206, %max3A_202 : vector<128x5120xf32>
        %max3A_212 = arith.constant 0.000000e+00 : f32
        %max3A_213 = vector.broadcast %max3A_212 : f32 to vector<128x5120xf32>
        %max3A_214 = arith.maximumf %sub3A_211, %max3A_213 : vector<128x5120xf32>
        %mul3A_215 = arith.mulf %max3A_210, %max3A_214 : vector<128x5120xf32>
        %sub3A_216 = arith.subf %get3A_7, %get3A_1 : vector<1x5120xf32>
        %sub3A_217 = arith.subf %get3A_10, %get3A_4 : vector<1x5120xf32>
        %mul3A_218 = arith.mulf %sub3A_216, %sub3A_217 : vector<1x5120xf32>
        %add3A_219 = vector.broadcast %mul3A_218 : vector<1x5120xf32> to vector<128x5120xf32>
        %add3A_220 = arith.addf %mul3A_199, %add3A_219 : vector<128x5120xf32>
        %sub3A_221 = arith.subf %add3A_220, %mul3A_215 : vector<128x5120xf32>
        %add3A_222 = arith.constant 9.99999971E-10 : f32
        %add3A_223 = vector.broadcast %add3A_222 : f32 to vector<128x5120xf32>
        %add3A_224 = arith.addf %sub3A_221, %add3A_223 : vector<128x5120xf32>
        %div3A_225 = arith.divf %mul3A_215, %add3A_224 : vector<128x5120xf32>
        %gt3A_226 = arith.constant 4.500000e-01 : f32
        %gt3A_227 = vector.broadcast %gt3A_226 : f32 to vector<128x5120xf32>
        %gt3A_228 = arith.cmpf ogt, %div3A_225, %gt3A_227 : vector<128x5120xf32>
        %gt3A_229 = arith.constant 5.000000e-01 : f32
        %gt3A_230 = vector.broadcast %gt3A_229 : f32 to vector<128x5120xf32>
        %gt3A_231 = arith.cmpf ogt, %dot_general3A_172, %gt3A_230 : vector<128x5120xf32>
        %and3A_232 = arith.andi %gt3A_228, %gt3A_231 : vector<128x5120xi1>
        %add3A_233 = vector.broadcast %mul3A_106 : f32 to vector<128x1xf32>
        %add3A_234 = arith.addf %convert_element_type3A_63, %add3A_233 : vector<128x1xf32>
        %gt3A_235 = vector.broadcast %broadcast_in_dim3A_30 : vector<1x5120xf32> to vector<128x5120xf32>
        %gt3A_236 = vector.broadcast %add3A_234 : vector<128x1xf32> to vector<128x5120xf32>
        %gt3A_237 = arith.cmpf ogt, %gt3A_235, %gt3A_236 : vector<128x5120xf32>
        %and3A_238 = arith.andi %and3A_232, %gt3A_237 : vector<128x5120xi1>
        %jit3A_239 = arith.constant 1.000000e+00 : f32
        %jit3A_240 = arith.constant 0.000000e+00 : f32
        %broadcast_in_dim3A_241 = vector.broadcast %jit3A_239 : f32 to vector<128x5120xf32>
        %broadcast_in_dim3A_242 = vector.broadcast %jit3A_240 : f32 to vector<128x5120xf32>
        %select_n3A_243 = arith.select %and3A_238, %broadcast_in_dim3A_241, %broadcast_in_dim3A_242 : vector<128x5120xi1>, vector<128x5120xf32>
        %reduce_max3A_244 = arith.constant dense<0xFF800000> : vector<5120xf32>
        %reduce_max3A_245 = vector.multi_reduction <maximumf>, %select_n3A_243, %reduce_max3A_244 [0] : vector<128x5120xf32> to vector<5120xf32>
        %broadcast_in_dim3A_246 = vector.shape_cast %reduce_max3A_245 : vector<5120xf32> to vector<1x5120xf32>
        %sub3A_247 = arith.constant 1.000000e+00 : f32
        %sub3A_248 = vector.broadcast %sub3A_247 : f32 to vector<1x5120xf32>
        %sub3A_249 = arith.subf %sub3A_248, %broadcast_in_dim3A_246 : vector<1x5120xf32>
        %mul3A_250 = arith.mulf %select_n3A_183, %sub3A_249 : vector<1x5120xf32>
        scf.yield %mul3A_250 : vector<1x5120xf32>
      } else {
        scf.yield %select_n3A_183 : vector<1x5120xf32>
      }
      scf.yield %cond3A_188 : vector<1x5120xf32>
    }
    %while3A_72 = arith.constant 1 : i32
    %while3A_73 = scf.for %while3A_102 = %while3A_69 to %while3A_65 step %while3A_72 iter_args(%while3A_103 = %while3A_71) -> (vector<1x5120xf32>)  : i32 {
      %convert_element_type3A_104 = arith.sitofp %while3A_102 : i32 to f32
      %mul3A_105 = arith.constant 1.280000e+02 : f32
      %mul3A_106 = arith.mulf %convert_element_type3A_104, %mul3A_105 : f32
      %add3A_107 = vector.broadcast %mul3A_106 : f32 to vector<128x1xf32>
      %add3A_108 = arith.addf %convert_element_type3A_63, %add3A_107 : vector<128x1xf32>
      %eq3A_109 = vector.broadcast %broadcast_in_dim3A_30 : vector<1x5120xf32> to vector<128x5120xf32>
      %eq3A_110 = vector.broadcast %add3A_108 : vector<128x1xf32> to vector<128x5120xf32>
      %eq3A_111 = arith.cmpf oeq, %eq3A_109, %eq3A_110 : vector<128x5120xf32>
      %jit3A_112 = arith.constant 1.000000e+00 : f32
      %jit3A_113 = arith.constant 0.000000e+00 : f32
      %broadcast_in_dim3A_114 = vector.broadcast %jit3A_112 : f32 to vector<128x5120xf32>
      %broadcast_in_dim3A_115 = vector.broadcast %jit3A_113 : f32 to vector<128x5120xf32>
      %select_n3A_116 = arith.select %eq3A_111, %broadcast_in_dim3A_114, %broadcast_in_dim3A_115 : vector<128x5120xi1>, vector<128x5120xf32>
      %mul3A_117 = vector.broadcast %get3A_1 : vector<1x5120xf32> to vector<128x5120xf32>
      %mul3A_118 = arith.mulf %select_n3A_116, %mul3A_117 : vector<128x5120xf32>
      %dot_general3A = arith.constant dense<0.000000e+00> : vector<128x80xf32>
      %dot_general3A_119 = tpu.matmul %mul3A_118, %select_n3A, %dot_general3A {dimension_numbers = #tpu.dot_dimension_numbers<[1], [1], [0], [0], [0, 0, 1, 0], [], []>, precision = #tpu.contract_precision<fp32>, transpose_lhs_hint = false} : vector<128x5120xf32>, vector<80x5120xf32>, vector<128x80xf32> -> vector<128x80xf32>
      %mul3A_120 = vector.broadcast %get3A_4 : vector<1x5120xf32> to vector<128x5120xf32>
      %mul3A_121 = arith.mulf %select_n3A_116, %mul3A_120 : vector<128x5120xf32>
      %dot_general3A_122 = arith.constant dense<0.000000e+00> : vector<128x80xf32>
      %dot_general3A_123 = tpu.matmul %mul3A_121, %select_n3A, %dot_general3A_122 {dimension_numbers = #tpu.dot_dimension_numbers<[1], [1], [0], [0], [0, 0, 1, 0], [], []>, precision = #tpu.contract_precision<fp32>, transpose_lhs_hint = false} : vector<128x5120xf32>, vector<80x5120xf32>, vector<128x80xf32> -> vector<128x80xf32>
      %mul3A_124 = vector.broadcast %get3A_7 : vector<1x5120xf32> to vector<128x5120xf32>
      %mul3A_125 = arith.mulf %select_n3A_116, %mul3A_124 : vector<128x5120xf32>
      %dot_general3A_126 = arith.constant dense<0.000000e+00> : vector<128x80xf32>
      %dot_general3A_127 = tpu.matmul %mul3A_125, %select_n3A, %dot_general3A_126 {dimension_numbers = #tpu.dot_dimension_numbers<[1], [1], [0], [0], [0, 0, 1, 0], [], []>, precision = #tpu.contract_precision<fp32>, transpose_lhs_hint = false} : vector<128x5120xf32>, vector<80x5120xf32>, vector<128x80xf32> -> vector<128x80xf32>
      %mul3A_128 = vector.broadcast %get3A_10 : vector<1x5120xf32> to vector<128x5120xf32>
      %mul3A_129 = arith.mulf %select_n3A_116, %mul3A_128 : vector<128x5120xf32>
      %dot_general3A_130 = arith.constant dense<0.000000e+00> : vector<128x80xf32>
      %dot_general3A_131 = tpu.matmul %mul3A_129, %select_n3A, %dot_general3A_130 {dimension_numbers = #tpu.dot_dimension_numbers<[1], [1], [0], [0], [0, 0, 1, 0], [], []>, precision = #tpu.contract_precision<fp32>, transpose_lhs_hint = false} : vector<128x5120xf32>, vector<80x5120xf32>, vector<128x80xf32> -> vector<128x80xf32>
      %mul3A_132 = vector.broadcast %while3A_103 : vector<1x5120xf32> to vector<128x5120xf32>
      %mul3A_133 = arith.mulf %select_n3A_116, %mul3A_132 : vector<128x5120xf32>
      %dot_general3A_134 = arith.constant dense<0.000000e+00> : vector<128x80xf32>
      %dot_general3A_135 = tpu.matmul %mul3A_133, %select_n3A, %dot_general3A_134 {dimension_numbers = #tpu.dot_dimension_numbers<[1], [1], [0], [0], [0, 0, 1, 0], [], []>, precision = #tpu.contract_precision<fp32>, transpose_lhs_hint = false} : vector<128x5120xf32>, vector<80x5120xf32>, vector<128x80xf32> -> vector<128x80xf32>
      %swap3A_136 = arith.constant 0 : index
      %swap3A_137 = arith.constant 0 : index
      %swap3A_138 = vector.load %arg3[%swap3A_136, %swap3A_137] : memref<128x80xf32, #tpu.memory_space<vmem>>, vector<128x80xf32>
      tpu.vector_store %arg3[%swap3A_136, %swap3A_137], %dot_general3A_119 {strides = array<i32>} : memref<128x80xf32, #tpu.memory_space<vmem>>, vector<128x80xf32>,
      %swap3A_139 = arith.constant 0 : index
      %swap3A_140 = arith.constant 0 : index
      %swap3A_141 = vector.load %arg4[%swap3A_139, %swap3A_140] : memref<128x80xf32, #tpu.memory_space<vmem>>, vector<128x80xf32>
      tpu.vector_store %arg4[%swap3A_139, %swap3A_140], %dot_general3A_123 {strides = array<i32>} : memref<128x80xf32, #tpu.memory_space<vmem>>, vector<128x80xf32>,
      %swap3A_142 = arith.constant 0 : index
      %swap3A_143 = arith.constant 0 : index
      %swap3A_144 = vector.load %arg5[%swap3A_142, %swap3A_143] : memref<128x80xf32, #tpu.memory_space<vmem>>, vector<128x80xf32>
      tpu.vector_store %arg5[%swap3A_142, %swap3A_143], %dot_general3A_127 {strides = array<i32>} : memref<128x80xf32, #tpu.memory_space<vmem>>, vector<128x80xf32>,
      %swap3A_145 = arith.constant 0 : index
      %swap3A_146 = arith.constant 0 : index
      %swap3A_147 = vector.load %arg6[%swap3A_145, %swap3A_146] : memref<128x80xf32, #tpu.memory_space<vmem>>, vector<128x80xf32>
      tpu.vector_store %arg6[%swap3A_145, %swap3A_146], %dot_general3A_131 {strides = array<i32>} : memref<128x80xf32, #tpu.memory_space<vmem>>, vector<128x80xf32>,
      %swap3A_148 = arith.constant 0 : index
      %swap3A_149 = arith.constant 0 : index
      %swap3A_150 = vector.load %arg7[%swap3A_148, %swap3A_149] : memref<128x80xf32, #tpu.memory_space<vmem>>, vector<128x80xf32>
      tpu.vector_store %arg7[%swap3A_148, %swap3A_149], %dot_general3A_135 {strides = array<i32>} : memref<128x80xf32, #tpu.memory_space<vmem>>, vector<128x80xf32>,
      %sub3A_151 = arith.subf %dot_general3A_127, %dot_general3A_119 : vector<128x80xf32>
      %sub3A_152 = arith.subf %dot_general3A_131, %dot_general3A_123 : vector<128x80xf32>
      %mul3A_153 = arith.mulf %sub3A_151, %sub3A_152 : vector<128x80xf32>
      %mul3A_154 = arith.constant 128 : i32
      %mul3A_155 = arith.muli %while3A_102, %mul3A_154 : i32
      %sub3A_156 = arith.subi %convert_element_type3A_39, %mul3A_155 : i32
      %min3A = arith.constant 128 : i32
      %min3A_157 = arith.minsi %sub3A_156, %min3A : i32
      %while3A_158 = arith.constant 0 : i32
      %while3A_159 = arith.constant 0 : i32
      %while3A_160 = arith.subi %min3A_157, %while3A_159 : i32
      %while3A_161 = arith.addi %while3A_159, %while3A_160 : i32
      %while3A_162 = arith.constant 1 : i32
      %while3A_163 = arith.divsi %while3A_160, %while3A_162 : i32
      %while3A_164 = arith.muli %while3A_163, %while3A_162 : i32
      %while3A_165 = arith.addi %while3A_159, %while3A_164 : i32
      %while3A_166 = arith.constant 1 : i32
      scf.for %while3A_189 = %while3A_159 to %while3A_165 step %while3A_166  : i32 {
        %get3A_190 = arith.index_cast %while3A_189 : i32 to index
        %get3A_191 = arith.constant 0 : index
        %get3A_192 = vector.load %arg3[%get3A_190, %get3A_191] : memref<128x80xf32, #tpu.memory_space<vmem>>, vector<1x80xf32>
        %get3A_193 = arith.index_cast %while3A_189 : i32 to index
        %get3A_194 = arith.constant 0 : index
        %get3A_195 = vector.load %arg4[%get3A_193, %get3A_194] : memref<128x80xf32, #tpu.memory_space<vmem>>, vector<1x80xf32>
        %get3A_196 = arith.index_cast %while3A_189 : i32 to index
        %get3A_197 = arith.constant 0 : index
        %get3A_198 = vector.load %arg5[%get3A_196, %get3A_197] : memref<128x80xf32, #tpu.memory_space<vmem>>, vector<1x80xf32>
        %get3A_199 = arith.index_cast %while3A_189 : i32 to index
        %get3A_200 = arith.constant 0 : index
        %get3A_201 = vector.load %arg6[%get3A_199, %get3A_200] : memref<128x80xf32, #tpu.memory_space<vmem>>, vector<1x80xf32>
        %get3A_202 = arith.index_cast %while3A_189 : i32 to index
        %get3A_203 = arith.constant 0 : index
        %get3A_204 = vector.load %arg7[%get3A_202, %get3A_203] : memref<128x80xf32, #tpu.memory_space<vmem>>, vector<1x80xf32>
        %get3A_205 = arith.constant 0 : index
        %get3A_206 = arith.constant 0 : index
        %get3A_207 = vector.load %arg7[%get3A_205, %get3A_206] : memref<128x80xf32, #tpu.memory_space<vmem>>, vector<128x80xf32>
        %max3A = vector.broadcast %get3A_192 : vector<1x80xf32> to vector<128x80xf32>
        %max3A_208 = arith.maximumf %max3A, %dot_general3A_119 : vector<128x80xf32>
        %max3A_209 = vector.broadcast %get3A_195 : vector<1x80xf32> to vector<128x80xf32>
        %max3A_210 = arith.maximumf %max3A_209, %dot_general3A_123 : vector<128x80xf32>
        %min3A_211 = vector.broadcast %get3A_198 : vector<1x80xf32> to vector<128x80xf32>
        %min3A_212 = arith.minimumf %min3A_211, %dot_general3A_127 : vector<128x80xf32>
        %min3A_213 = vector.broadcast %get3A_201 : vector<1x80xf32> to vector<128x80xf32>
        %min3A_214 = arith.minimumf %min3A_213, %dot_general3A_131 : vector<128x80xf32>
        %sub3A_215 = arith.subf %min3A_212, %max3A_208 : vector<128x80xf32>
        %max3A_216 = arith.constant 0.000000e+00 : f32
        %max3A_217 = vector.broadcast %max3A_216 : f32 to vector<128x80xf32>
        %max3A_218 = arith.maximumf %sub3A_215, %max3A_217 : vector<128x80xf32>
        %sub3A_219 = arith.subf %min3A_214, %max3A_210 : vector<128x80xf32>
        %max3A_220 = arith.constant 0.000000e+00 : f32
        %max3A_221 = vector.broadcast %max3A_220 : f32 to vector<128x80xf32>
        %max3A_222 = arith.maximumf %sub3A_219, %max3A_221 : vector<128x80xf32>
        %mul3A_223 = arith.mulf %max3A_218, %max3A_222 : vector<128x80xf32>
        %sub3A_224 = arith.subf %get3A_198, %get3A_192 : vector<1x80xf32>
        %sub3A_225 = arith.subf %get3A_201, %get3A_195 : vector<1x80xf32>
        %mul3A_226 = arith.mulf %sub3A_224, %sub3A_225 : vector<1x80xf32>
        %add3A_227 = vector.broadcast %mul3A_226 : vector<1x80xf32> to vector<128x80xf32>
        %add3A_228 = arith.addf %add3A_227, %mul3A_153 : vector<128x80xf32>
        %sub3A_229 = arith.subf %add3A_228, %mul3A_223 : vector<128x80xf32>
        %add3A_230 = arith.constant 9.99999971E-10 : f32
        %add3A_231 = vector.broadcast %add3A_230 : f32 to vector<128x80xf32>
        %add3A_232 = arith.addf %sub3A_229, %add3A_231 : vector<128x80xf32>
        %div3A_233 = arith.divf %mul3A_223, %add3A_232 : vector<128x80xf32>
        %convert_element_type3A_234 = arith.sitofp %while3A_189 : i32 to f32
        %gt3A_235 = vector.broadcast %convert_element_type3A_234 : f32 to vector<128x1xf32>
        %gt3A_236 = arith.cmpf ogt, %convert_element_type3A_63, %gt3A_235 : vector<128x1xf32>
        %gt3A_237 = arith.constant 4.500000e-01 : f32
        %gt3A_238 = vector.broadcast %gt3A_237 : f32 to vector<128x80xf32>
        %gt3A_239 = arith.cmpf ogt, %div3A_233, %gt3A_238 : vector<128x80xf32>
        %gt3A_240 = arith.constant 5.000000e-01 : f32
        %gt3A_241 = vector.broadcast %gt3A_240 : f32 to vector<1x80xf32>
        %gt3A_242 = arith.cmpf ogt, %get3A_204, %gt3A_241 : vector<1x80xf32>
        %and3A_243 = vector.broadcast %gt3A_242 : vector<1x80xi1> to vector<128x80xi1>
        %and3A_244 = arith.andi %gt3A_239, %and3A_243 : vector<128x80xi1>
        %and3A_245 = vector.broadcast %gt3A_236 : vector<128x1xi1> to vector<128x80xi1>
        %and3A_246 = arith.andi %and3A_244, %and3A_245 : vector<128x80xi1>
        %jit3A_247 = arith.constant 0.000000e+00 : f32
        %jit3A_248 = arith.constant 1.000000e+00 : f32
        %broadcast_in_dim3A_249 = vector.broadcast %jit3A_247 : f32 to vector<128x80xf32>
        %broadcast_in_dim3A_250 = vector.broadcast %jit3A_248 : f32 to vector<128x80xf32>
        %select_n3A_251 = arith.select %and3A_246, %broadcast_in_dim3A_249, %broadcast_in_dim3A_250 : vector<128x80xi1>, vector<128x80xf32>
        %mul3A_252 = arith.mulf %get3A_207, %select_n3A_251 : vector<128x80xf32>
        %swap3A_253 = arith.constant 0 : index
        %swap3A_254 = arith.constant 0 : index
        %swap3A_255 = vector.load %arg7[%swap3A_253, %swap3A_254] : memref<128x80xf32, #tpu.memory_space<vmem>>, vector<128x80xf32>
        tpu.vector_store %arg7[%swap3A_253, %swap3A_254], %mul3A_252 {strides = array<i32>} : memref<128x80xf32, #tpu.memory_space<vmem>>, vector<128x80xf32>,
      }
      %while3A_167 = arith.constant 1 : i32
      scf.for %while3A_189 = %while3A_165 to %while3A_161 step %while3A_167  : i32 {
        %get3A_190 = arith.index_cast %while3A_189 : i32 to index
        %get3A_191 = arith.constant 0 : index
        %get3A_192 = vector.load %arg3[%get3A_190, %get3A_191] : memref<128x80xf32, #tpu.memory_space<vmem>>, vector<1x80xf32>
        %get3A_193 = arith.index_cast %while3A_189 : i32 to index
        %get3A_194 = arith.constant 0 : index
        %get3A_195 = vector.load %arg4[%get3A_193, %get3A_194] : memref<128x80xf32, #tpu.memory_space<vmem>>, vector<1x80xf32>
        %get3A_196 = arith.index_cast %while3A_189 : i32 to index
        %get3A_197 = arith.constant 0 : index
        %get3A_198 = vector.load %arg5[%get3A_196, %get3A_197] : memref<128x80xf32, #tpu.memory_space<vmem>>, vector<1x80xf32>
        %get3A_199 = arith.index_cast %while3A_189 : i32 to index
        %get3A_200 = arith.constant 0 : index
        %get3A_201 = vector.load %arg6[%get3A_199, %get3A_200] : memref<128x80xf32, #tpu.memory_space<vmem>>, vector<1x80xf32>
        %get3A_202 = arith.index_cast %while3A_189 : i32 to index
        %get3A_203 = arith.constant 0 : index
        %get3A_204 = vector.load %arg7[%get3A_202, %get3A_203] : memref<128x80xf32, #tpu.memory_space<vmem>>, vector<1x80xf32>
        %get3A_205 = arith.constant 0 : index
        %get3A_206 = arith.constant 0 : index
        %get3A_207 = vector.load %arg7[%get3A_205, %get3A_206] : memref<128x80xf32, #tpu.memory_space<vmem>>, vector<128x80xf32>
        %max3A = vector.broadcast %get3A_192 : vector<1x80xf32> to vector<128x80xf32>
        %max3A_208 = arith.maximumf %max3A, %dot_general3A_119 : vector<128x80xf32>
        %max3A_209 = vector.broadcast %get3A_195 : vector<1x80xf32> to vector<128x80xf32>
        %max3A_210 = arith.maximumf %max3A_209, %dot_general3A_123 : vector<128x80xf32>
        %min3A_211 = vector.broadcast %get3A_198 : vector<1x80xf32> to vector<128x80xf32>
        %min3A_212 = arith.minimumf %min3A_211, %dot_general3A_127 : vector<128x80xf32>
        %min3A_213 = vector.broadcast %get3A_201 : vector<1x80xf32> to vector<128x80xf32>
        %min3A_214 = arith.minimumf %min3A_213, %dot_general3A_131 : vector<128x80xf32>
        %sub3A_215 = arith.subf %min3A_212, %max3A_208 : vector<128x80xf32>
        %max3A_216 = arith.constant 0.000000e+00 : f32
        %max3A_217 = vector.broadcast %max3A_216 : f32 to vector<128x80xf32>
        %max3A_218 = arith.maximumf %sub3A_215, %max3A_217 : vector<128x80xf32>
        %sub3A_219 = arith.subf %min3A_214, %max3A_210 : vector<128x80xf32>
        %max3A_220 = arith.constant 0.000000e+00 : f32
        %max3A_221 = vector.broadcast %max3A_220 : f32 to vector<128x80xf32>
        %max3A_222 = arith.maximumf %sub3A_219, %max3A_221 : vector<128x80xf32>
        %mul3A_223 = arith.mulf %max3A_218, %max3A_222 : vector<128x80xf32>
        %sub3A_224 = arith.subf %get3A_198, %get3A_192 : vector<1x80xf32>
        %sub3A_225 = arith.subf %get3A_201, %get3A_195 : vector<1x80xf32>
        %mul3A_226 = arith.mulf %sub3A_224, %sub3A_225 : vector<1x80xf32>
        %add3A_227 = vector.broadcast %mul3A_226 : vector<1x80xf32> to vector<128x80xf32>
        %add3A_228 = arith.addf %add3A_227, %mul3A_153 : vector<128x80xf32>
        %sub3A_229 = arith.subf %add3A_228, %mul3A_223 : vector<128x80xf32>
        %add3A_230 = arith.constant 9.99999971E-10 : f32
        %add3A_231 = vector.broadcast %add3A_230 : f32 to vector<128x80xf32>
        %add3A_232 = arith.addf %sub3A_229, %add3A_231 : vector<128x80xf32>
        %div3A_233 = arith.divf %mul3A_223, %add3A_232 : vector<128x80xf32>
        %convert_element_type3A_234 = arith.sitofp %while3A_189 : i32 to f32
        %gt3A_235 = vector.broadcast %convert_element_type3A_234 : f32 to vector<128x1xf32>
        %gt3A_236 = arith.cmpf ogt, %convert_element_type3A_63, %gt3A_235 : vector<128x1xf32>
        %gt3A_237 = arith.constant 4.500000e-01 : f32
        %gt3A_238 = vector.broadcast %gt3A_237 : f32 to vector<128x80xf32>
        %gt3A_239 = arith.cmpf ogt, %div3A_233, %gt3A_238 : vector<128x80xf32>
        %gt3A_240 = arith.constant 5.000000e-01 : f32
        %gt3A_241 = vector.broadcast %gt3A_240 : f32 to vector<1x80xf32>
        %gt3A_242 = arith.cmpf ogt, %get3A_204, %gt3A_241 : vector<1x80xf32>
        %and3A_243 = vector.broadcast %gt3A_242 : vector<1x80xi1> to vector<128x80xi1>
        %and3A_244 = arith.andi %gt3A_239, %and3A_243 : vector<128x80xi1>
        %and3A_245 = vector.broadcast %gt3A_236 : vector<128x1xi1> to vector<128x80xi1>
        %and3A_246 = arith.andi %and3A_244, %and3A_245 : vector<128x80xi1>
        %jit3A_247 = arith.constant 0.000000e+00 : f32
        %jit3A_248 = arith.constant 1.000000e+00 : f32
        %broadcast_in_dim3A_249 = vector.broadcast %jit3A_247 : f32 to vector<128x80xf32>
        %broadcast_in_dim3A_250 = vector.broadcast %jit3A_248 : f32 to vector<128x80xf32>
        %select_n3A_251 = arith.select %and3A_246, %broadcast_in_dim3A_249, %broadcast_in_dim3A_250 : vector<128x80xi1>, vector<128x80xf32>
        %mul3A_252 = arith.mulf %get3A_207, %select_n3A_251 : vector<128x80xf32>
        %swap3A_253 = arith.constant 0 : index
        %swap3A_254 = arith.constant 0 : index
        %swap3A_255 = vector.load %arg7[%swap3A_253, %swap3A_254] : memref<128x80xf32, #tpu.memory_space<vmem>>, vector<128x80xf32>
        tpu.vector_store %arg7[%swap3A_253, %swap3A_254], %mul3A_252 {strides = array<i32>} : memref<128x80xf32, #tpu.memory_space<vmem>>, vector<128x80xf32>,
      }
      %get3A_168 = arith.constant 0 : index
      %get3A_169 = arith.constant 0 : index
      %get3A_170 = vector.load %arg7[%get3A_168, %get3A_169] : memref<128x80xf32, #tpu.memory_space<vmem>>, vector<128x80xf32>
      %dot_general3A_171 = arith.constant dense<0.000000e+00> : vector<128x5120xf32>
      %dot_general3A_172 = tpu.matmul %get3A_170, %select_n3A, %dot_general3A_171 {dimension_numbers = #tpu.dot_dimension_numbers<[1], [0], [0], [1], [0, 0, 1, 1], [], []>, transpose_lhs_hint = false} : vector<128x80xf32>, vector<80x5120xf32>, vector<128x5120xf32> -> vector<128x5120xf32>
      %reduce_sum3A_173 = arith.constant dense<0.000000e+00> : vector<5120xf32>
      %reduce_sum3A_174 = vector.multi_reduction <add>, %select_n3A_116, %reduce_sum3A_173 [0] : vector<128x5120xf32> to vector<5120xf32>
      %broadcast_in_dim3A_175 = vector.shape_cast %reduce_sum3A_174 : vector<5120xf32> to vector<1x5120xf32>
      %mul3A_176 = arith.mulf %select_n3A_116, %dot_general3A_172 : vector<128x5120xf32>
      %reduce_sum3A_177 = arith.constant dense<0.000000e+00> : vector<5120xf32>
      %reduce_sum3A_178 = vector.multi_reduction <add>, %mul3A_176, %reduce_sum3A_177 [0] : vector<128x5120xf32> to vector<5120xf32>
      %broadcast_in_dim3A_179 = vector.shape_cast %reduce_sum3A_178 : vector<5120xf32> to vector<1x5120xf32>
      %gt3A_180 = arith.constant 5.000000e-01 : f32
      %gt3A_181 = vector.broadcast %gt3A_180 : f32 to vector<1x5120xf32>
      %gt3A_182 = arith.cmpf ogt, %broadcast_in_dim3A_175, %gt3A_181 : vector<1x5120xf32>
      %select_n3A_183 = arith.select %gt3A_182, %broadcast_in_dim3A_179, %while3A_103 : vector<1x5120xi1>, vector<1x5120xf32>
      %add3A_184 = arith.constant 1 : i32
      %add3A_185 = arith.addi %while3A_102, %add3A_184 : i32
      %lt3A = arith.cmpi slt, %add3A_185, %select_n3A_61 : i32
      %convert_element_type3A_186 = arith.extui %lt3A : i1 to i32
      %cond3A = arith.constant 0 : i32
      %cond3A_187 = arith.cmpi ne, %convert_element_type3A_186, %cond3A : i32
      %cond3A_188 = scf.if %cond3A_187 -> (vector<1x5120xf32>) {
        %dot_general3A_189 = arith.constant dense<0.000000e+00> : vector<128x5120xf32>
        %dot_general3A_190 = tpu.matmul %dot_general3A_119, %select_n3A, %dot_general3A_189 {dimension_numbers = #tpu.dot_dimension_numbers<[1], [0], [0], [1], [0, 0, 1, 1], [], []>, precision = #tpu.contract_precision<fp32>, transpose_lhs_hint = false} : vector<128x80xf32>, vector<80x5120xf32>, vector<128x5120xf32> -> vector<128x5120xf32>
        %dot_general3A_191 = arith.constant dense<0.000000e+00> : vector<128x5120xf32>
        %dot_general3A_192 = tpu.matmul %dot_general3A_123, %select_n3A, %dot_general3A_191 {dimension_numbers = #tpu.dot_dimension_numbers<[1], [0], [0], [1], [0, 0, 1, 1], [], []>, precision = #tpu.contract_precision<fp32>, transpose_lhs_hint = false} : vector<128x80xf32>, vector<80x5120xf32>, vector<128x5120xf32> -> vector<128x5120xf32>
        %dot_general3A_193 = arith.constant dense<0.000000e+00> : vector<128x5120xf32>
        %dot_general3A_194 = tpu.matmul %dot_general3A_127, %select_n3A, %dot_general3A_193 {dimension_numbers = #tpu.dot_dimension_numbers<[1], [0], [0], [1], [0, 0, 1, 1], [], []>, precision = #tpu.contract_precision<fp32>, transpose_lhs_hint = false} : vector<128x80xf32>, vector<80x5120xf32>, vector<128x5120xf32> -> vector<128x5120xf32>
        %dot_general3A_195 = arith.constant dense<0.000000e+00> : vector<128x5120xf32>
        %dot_general3A_196 = tpu.matmul %dot_general3A_131, %select_n3A, %dot_general3A_195 {dimension_numbers = #tpu.dot_dimension_numbers<[1], [0], [0], [1], [0, 0, 1, 1], [], []>, precision = #tpu.contract_precision<fp32>, transpose_lhs_hint = false} : vector<128x80xf32>, vector<80x5120xf32>, vector<128x5120xf32> -> vector<128x5120xf32>
        %sub3A_197 = arith.subf %dot_general3A_194, %dot_general3A_190 : vector<128x5120xf32>
        %sub3A_198 = arith.subf %dot_general3A_196, %dot_general3A_192 : vector<128x5120xf32>
        %mul3A_199 = arith.mulf %sub3A_197, %sub3A_198 : vector<128x5120xf32>
        %max3A = vector.broadcast %get3A_1 : vector<1x5120xf32> to vector<128x5120xf32>
        %max3A_200 = arith.maximumf %dot_general3A_190, %max3A : vector<128x5120xf32>
        %max3A_201 = vector.broadcast %get3A_4 : vector<1x5120xf32> to vector<128x5120xf32>
        %max3A_202 = arith.maximumf %dot_general3A_192, %max3A_201 : vector<128x5120xf32>
        %min3A_203 = vector.broadcast %get3A_7 : vector<1x5120xf32> to vector<128x5120xf32>
        %min3A_204 = arith.minimumf %dot_general3A_194, %min3A_203 : vector<128x5120xf32>
        %min3A_205 = vector.broadcast %get3A_10 : vector<1x5120xf32> to vector<128x5120xf32>
        %min3A_206 = arith.minimumf %dot_general3A_196, %min3A_205 : vector<128x5120xf32>
        %sub3A_207 = arith.subf %min3A_204, %max3A_200 : vector<128x5120xf32>
        %max3A_208 = arith.constant 0.000000e+00 : f32
        %max3A_209 = vector.broadcast %max3A_208 : f32 to vector<128x5120xf32>
        %max3A_210 = arith.maximumf %sub3A_207, %max3A_209 : vector<128x5120xf32>
        %sub3A_211 = arith.subf %min3A_206, %max3A_202 : vector<128x5120xf32>
        %max3A_212 = arith.constant 0.000000e+00 : f32
        %max3A_213 = vector.broadcast %max3A_212 : f32 to vector<128x5120xf32>
        %max3A_214 = arith.maximumf %sub3A_211, %max3A_213 : vector<128x5120xf32>
        %mul3A_215 = arith.mulf %max3A_210, %max3A_214 : vector<128x5120xf32>
        %sub3A_216 = arith.subf %get3A_7, %get3A_1 : vector<1x5120xf32>
        %sub3A_217 = arith.subf %get3A_10, %get3A_4 : vector<1x5120xf32>
        %mul3A_218 = arith.mulf %sub3A_216, %sub3A_217 : vector<1x5120xf32>
        %add3A_219 = vector.broadcast %mul3A_218 : vector<1x5120xf32> to vector<128x5120xf32>
        %add3A_220 = arith.addf %mul3A_199, %add3A_219 : vector<128x5120xf32>
        %sub3A_221 = arith.subf %add3A_220, %mul3A_215 : vector<128x5120xf32>
        %add3A_222 = arith.constant 9.99999971E-10 : f32
        %add3A_223 = vector.broadcast %add3A_222 : f32 to vector<128x5120xf32>
        %add3A_224 = arith.addf %sub3A_221, %add3A_223 : vector<128x5120xf32>
        %div3A_225 = arith.divf %mul3A_215, %add3A_224 : vector<128x5120xf32>
        %gt3A_226 = arith.constant 4.500000e-01 : f32
        %gt3A_227 = vector.broadcast %gt3A_226 : f32 to vector<128x5120xf32>
        %gt3A_228 = arith.cmpf ogt, %div3A_225, %gt3A_227 : vector<128x5120xf32>
        %gt3A_229 = arith.constant 5.000000e-01 : f32
        %gt3A_230 = vector.broadcast %gt3A_229 : f32 to vector<128x5120xf32>
        %gt3A_231 = arith.cmpf ogt, %dot_general3A_172, %gt3A_230 : vector<128x5120xf32>
        %and3A_232 = arith.andi %gt3A_228, %gt3A_231 : vector<128x5120xi1>
        %add3A_233 = vector.broadcast %mul3A_106 : f32 to vector<128x1xf32>
        %add3A_234 = arith.addf %convert_element_type3A_63, %add3A_233 : vector<128x1xf32>
        %gt3A_235 = vector.broadcast %broadcast_in_dim3A_30 : vector<1x5120xf32> to vector<128x5120xf32>
        %gt3A_236 = vector.broadcast %add3A_234 : vector<128x1xf32> to vector<128x5120xf32>
        %gt3A_237 = arith.cmpf ogt, %gt3A_235, %gt3A_236 : vector<128x5120xf32>
        %and3A_238 = arith.andi %and3A_232, %gt3A_237 : vector<128x5120xi1>
        %jit3A_239 = arith.constant 1.000000e+00 : f32
        %jit3A_240 = arith.constant 0.000000e+00 : f32
        %broadcast_in_dim3A_241 = vector.broadcast %jit3A_239 : f32 to vector<128x5120xf32>
        %broadcast_in_dim3A_242 = vector.broadcast %jit3A_240 : f32 to vector<128x5120xf32>
        %select_n3A_243 = arith.select %and3A_238, %broadcast_in_dim3A_241, %broadcast_in_dim3A_242 : vector<128x5120xi1>, vector<128x5120xf32>
        %reduce_max3A_244 = arith.constant dense<0xFF800000> : vector<5120xf32>
        %reduce_max3A_245 = vector.multi_reduction <maximumf>, %select_n3A_243, %reduce_max3A_244 [0] : vector<128x5120xf32> to vector<5120xf32>
        %broadcast_in_dim3A_246 = vector.shape_cast %reduce_max3A_245 : vector<5120xf32> to vector<1x5120xf32>
        %sub3A_247 = arith.constant 1.000000e+00 : f32
        %sub3A_248 = vector.broadcast %sub3A_247 : f32 to vector<1x5120xf32>
        %sub3A_249 = arith.subf %sub3A_248, %broadcast_in_dim3A_246 : vector<1x5120xf32>
        %mul3A_250 = arith.mulf %select_n3A_183, %sub3A_249 : vector<1x5120xf32>
        scf.yield %mul3A_250 : vector<1x5120xf32>
      } else {
        scf.yield %select_n3A_183 : vector<1x5120xf32>
      }
      scf.yield %cond3A_188 : vector<1x5120xf32>
    }
    %mul3A_74 = arith.mulf %get3A_1, %while3A_73 : vector<1x5120xf32>
    %swap3A = arith.constant 0 : index
    %swap3A_75 = arith.constant 0 : index
    %swap3A_76 = vector.load %arg2[%swap3A, %swap3A_75] : memref<8x5120xf32, #tpu.memory_space<vmem>>, vector<1x5120xf32>
    tpu.vector_store %arg2[%swap3A, %swap3A_75], %mul3A_74 {strides = array<i32>} : memref<8x5120xf32, #tpu.memory_space<vmem>>, vector<1x5120xf32>,
    %mul3A_77 = arith.mulf %get3A_4, %while3A_73 : vector<1x5120xf32>
    %swap3A_78 = arith.constant 1 : index
    %swap3A_79 = arith.constant 0 : index
    %swap3A_80 = vector.load %arg2[%swap3A_78, %swap3A_79] : memref<8x5120xf32, #tpu.memory_space<vmem>>, vector<1x5120xf32>
    tpu.vector_store %arg2[%swap3A_78, %swap3A_79], %mul3A_77 {strides = array<i32>} : memref<8x5120xf32, #tpu.memory_space<vmem>>, vector<1x5120xf32>,
    %mul3A_81 = arith.mulf %get3A_7, %while3A_73 : vector<1x5120xf32>
    %swap3A_82 = arith.constant 2 : index
    %swap3A_83 = arith.constant 0 : index
    %swap3A_84 = vector.load %arg2[%swap3A_82, %swap3A_83] : memref<8x5120xf32, #tpu.memory_space<vmem>>, vector<1x5120xf32>
    tpu.vector_store %arg2[%swap3A_82, %swap3A_83], %mul3A_81 {strides = array<i32>} : memref<8x5120xf32, #tpu.memory_space<vmem>>, vector<1x5120xf32>,
    %mul3A_85 = arith.mulf %get3A_10, %while3A_73 : vector<1x5120xf32>
    %swap3A_86 = arith.constant 3 : index
    %swap3A_87 = arith.constant 0 : index
    %swap3A_88 = vector.load %arg2[%swap3A_86, %swap3A_87] : memref<8x5120xf32, #tpu.memory_space<vmem>>, vector<1x5120xf32>
    tpu.vector_store %arg2[%swap3A_86, %swap3A_87], %mul3A_85 {strides = array<i32>} : memref<8x5120xf32, #tpu.memory_space<vmem>>, vector<1x5120xf32>,
    %mul3A_89 = arith.mulf %get3A_13, %while3A_73 : vector<1x5120xf32>
    %swap3A_90 = arith.constant 4 : index
    %swap3A_91 = arith.constant 0 : index
    %swap3A_92 = vector.load %arg2[%swap3A_90, %swap3A_91] : memref<8x5120xf32, #tpu.memory_space<vmem>>, vector<1x5120xf32>
    tpu.vector_store %arg2[%swap3A_90, %swap3A_91], %mul3A_89 {strides = array<i32>} : memref<8x5120xf32, #tpu.memory_space<vmem>>, vector<1x5120xf32>,
    %mul3A_93 = arith.mulf %get3A_16, %while3A_73 : vector<1x5120xf32>
    %swap3A_94 = arith.constant 5 : index
    %swap3A_95 = arith.constant 0 : index
    %swap3A_96 = vector.load %arg2[%swap3A_94, %swap3A_95] : memref<8x5120xf32, #tpu.memory_space<vmem>>, vector<1x5120xf32>
    tpu.vector_store %arg2[%swap3A_94, %swap3A_95], %mul3A_93 {strides = array<i32>} : memref<8x5120xf32, #tpu.memory_space<vmem>>, vector<1x5120xf32>,
    %broadcast_in_dim3A_97 = arith.constant 0.000000e+00 : f32
    %broadcast_in_dim3A_98 = vector.broadcast %broadcast_in_dim3A_97 : f32 to vector<2x5120xf32>
    %swap3A_99 = arith.constant 6 : index
    %swap3A_100 = arith.constant 0 : index
    %swap3A_101 = vector.load %arg2[%swap3A_99, %swap3A_100] : memref<8x5120xf32, #tpu.memory_space<vmem>>, vector<2x5120xf32>
    tpu.vector_store %arg2[%swap3A_99, %swap3A_100], %broadcast_in_dim3A_98 {strides = array<i32>} : memref<8x5120xf32, #tpu.memory_space<vmem>>, vector<2x5120xf32>,
    return
  }
}

</mosaic_0001>

<sc_bundles>
// kernel: kernel.6.cloned.1.call-start
scs
__scs_entry_jumppad:
0x0: {  	(pc) =	sbr.rel $0x88, $3  }
0x1: {  	(tag) =	ssettag $0x0;
	lr =	simm.s32 $0x1  }
0x2: {  	[smem:$0x3FA0] =	sst lr;
	_ =	strace $0xD0000000  }
0x3: {  	_ = 	snop  }
0x4: {  	_ = 	snop  }
0x5: {  	_ = 	snop  }
0x6: {  	_ = 	snop  }
0x7: {  	_ = 	snop  }
__scs_overlays_trampoline_lowered:
0x8: {  	[smem:$0x3FAF] =	sst s0  }
0x9: {  	[smem:$0x3FB0] =	sst s1  }
0xa: {  	[smem:$0x3FB1] =	sst s2  }
0xb: {  	[smem:$0x3FB2] =	sst s3  }
0xc: {  	[smem:$0x3FB3] =	sst s4  }
0xd: {  	[smem:$0x3FB4] =	sst s5  }
0xe: {  	[smem:$0x3FB5] =	sst s6  }
0xf: {  	[smem:$0x3FB6] =	sst s7  }
0x10: {  	[smem:$0x3FB7] =	sst s8  }
0x11: {  	[smem:$0x3FB8] =	sst s9;
	s0 =	simm.s32 @!p0 $0x0  }
0x12: {  	s1 =	sld [smem:$0x3F9E];
	s0 =	simm.s32 @p0 $0x1  }
0x13: {  	[smem:$0x3FB9] =	sst s0;
	s0 =	simm.s32 @!p1 $0x0  }
0x14: {  	s2 =	sld [smem:$0x3F9D];
	s0 =	simm.s32 @p1 $0x1  }
0x15: {  	[smem:$0x3FBA] =	sst s0;
	s0 =	simm.s32 @!p2 $0x0  }
0x16: {  	s3 =	sld [smem:$0x3FDB];
	s0 =	simm.s32 @p2 $0x1  }
0x17: {  	s4 =	simm.s32 $0x1BF5;
	[smem:$0x3FBC] =	sst s0  }
0x18: {  	s0 =	sld [smem:$0x3F9F];
	_ =	swait.ge [sflag:s4], $0x0  }
0x19: {  	s7 =	sld [smem:$0x3FA0]  }
0x1a: {  	s8 =	sadd.s32 $0xFFFFE003, lr  }
0x1b: {  	s9 =	sadd.s32 $0xFFFFFEF7, lr;
	s5 =	simm.s32 $0xFFFFFFFF;
	p2 =	slt.u32 s8, $0xFFFFF086  }
0x1c: {  	p1 =	slt.u32 s9, $0xF7A;
	s5 =	simm.s32 @!p2 $0x0  }
0x1d: {  	s5 =	simm.s32 @p1 $0x1;
	p0 =	seq.s32 s7, s2  }
0x1e: {  	s7 =	smul.u32 @!p0 $0xF7A, s2;
	p2 =	seq.s32 @!p0 s5, $0x0  }
0x1f: {  	s9 =	smul.u32 $0xF7A, s1;
	s8 =	simm.s32 @!p0 $0x1BF5;
	p2 =	por !p2, p0  }
0x20: {  	[sflag:s8] =	ssyncset.s32 @!p0 $0xFFFFF086;
	s6 =	sadd.s32 @!p0 s3, s7;
	s7 =	simm.s32 @!p0 $0x108  }
0x21: {  	s3 =	sadd.s32 s3, s9;
	s6 =	sadd.s32 @!p0 $0x88, s6;
	s7 =	simm.s32 @p2 $0x1082  }
0x22: {  	[simem:s7], [sflag:s8] =	dma.local @!p0 [hbm:s6], $0xF7A  }
0x23: {  	s9 =	sor.u32 $0xD0000000, s2;
	s6 =	simm.s32 $0x108;
	_ =	swait.ge @!p0 [sflag:s8], $0x0  }
0x24: {  	s3 =	sadd.s32 $0x88, s3;
	s6 =	simm.s32 @!p1 $0x1082;
	[sflag:s4] =	ssyncset.s32 $0xFFFFF086  }
0x25: {  	[simem:s6], [sflag:s4] =	dma.local [hbm:s3], $0xF7A  }
0x26: {  	[smem:$0x3FA0] =	sst s1;
	(tag) =	ssettag s2;
	_ =	strace s9  }
0x27: {  	s1 =	sld [smem:$0x3FB0]  }
0x28: {  	s2 =	sld [smem:$0x3FB1]  }
0x29: {  	s4 =	sld [smem:$0x3FB3]  }
0x2a: {  	p0 =	seq.s32 s5, $0x0;
	s5 =	sld [smem:$0x3FB4]  }
0x2b: {  	s6 =	sld [smem:$0x3FB5]  }
0x2c: {  	s7 =	sld [smem:$0x3FB6]  }
0x2d: {  	s3 =	simm.s32 $0x108;
	s8 =	sld [smem:$0x3FB7]  }
0x2e: {  	s3 =	simm.s32 @!p0 $0x1082;
	s9 =	sld [smem:$0x3FB8]  }
0x2f: {  	lr =	sadd.s32 s0, s3;
	s0 =	sld [smem:$0x3FAF]  }
0x30: {  	s3 =	sld [smem:$0x3FB2]  }
0x31: {  	[smem:$0x3FBB] =	sst s10  }
0x32: {  	s10 =	sld [smem:$0x3FB9];
	_ =	sdelay $0x3  }
0x33: {  	p0 =	seq.s32 s10, $0x1;
	s10 =	sld [smem:$0x3FBB];
	_ =	sdelay $0x3  }
0x34: {  	[smem:$0x3FBB] =	sst s10  }
0x35: {  	s10 =	sld [smem:$0x3FBA];
	_ =	sdelay $0x3  }
0x36: {  	p1 =	seq.s32 s10, $0x1;
	s10 =	sld [smem:$0x3FBB];
	_ =	sdelay $0x3  }
0x37: {  	[smem:$0x3FBB] =	sst s10  }
0x38: {  	s10 =	sld [smem:$0x3FBC]  }
0x39: {  	_ = 	snop;
	(pc) =	sbr.ind lr, $3  }
0x3a: {  	_ = 	snop  }
0x3b: {  	_ = 	snop  }
0x3c: {  	p2 =	seq.s32 s10, $0x1;
	s10 =	sld [smem:$0x3FBB]  }
0x3d: {  	_ =	shalt  }
0x3e: {  	_ =	shalt  }
0x3f: {  	_ =	shalt  }
0x40: {  	_ =	shalt  }
0x41: {  	_ =	shalt  }
0x42: {  	_ =	shalt  }
0x43: {  	_ =	shalt  }
0x44: {  	_ =	shalt  }
0x45: {  	_ =	shalt  }
0x46: {  	_ =	shalt  }
0x47: {  	_ =	shalt  }
0x48: {  	_ =	shalt  }
0x49: {  	_ =	shalt  }
0x4a: {  	_ =	shalt  }
0x4b: {  	_ =	shalt  }
0x4c: {  	_ =	shalt  }
0x4d: {  	_ =	shalt  }
0x4e: {  	_ =	shalt  }
0x4f: {  	_ =	shalt  }
0x50: {  	_ =	shalt  }
0x51: {  	_ =	shalt  }
0x52: {  	_ =	shalt  }
0x53: {  	_ =	shalt  }
0x54: {  	_ =	shalt  }
0x55: {  	_ =	shalt  }
0x56: {  	_ =	shalt  }
0x57: {  	_ =	shalt  }
0x58: {  	_ =	shalt  }
0x59: {  	_ =	shalt  }
0x5a: {  	_ =	shalt  }
0x5b: {  	_ =	shalt  }
0x5c: {  	_ =	shalt  }
0x5d: {  	_ =	shalt  }
0x5e: {  	_ =	shalt  }
0x5f: {  	_ =	shalt  }
0x60: {  	_ =	shalt  }
0x61: {  	_ =	shalt  }
0x62: {  	_ =	shalt  }
0x63: {  	_ =	shalt  }
0x64: {  	_ =	shalt  }
0x65: {  	_ =	shalt  }
0x66: {  	_ =	shalt  }
0x67: {  	_ =	shalt  }
0x68: {  	_ =	shalt  }
0x69: {  	_ =	shalt  }
0x6a: {  	_ =	shalt  }
0x6b: {  	_ =	shalt  }
0x6c: {  	_ =	shalt  }
0x6d: {  	_ =	shalt  }
0x6e: {  	_ =	shalt  }
0x6f: {  	_ =	shalt  }
0x70: {  	_ =	shalt  }
0x71: {  	_ =	shalt  }
0x72: {  	_ =	shalt  }
0x73: {  	_ =	shalt  }
0x74: {  	_ =	shalt  }
0x75: {  	_ =	shalt  }
0x76: {  	_ =	shalt  }
0x77: {  	_ =	shalt  }
0x78: {  	_ =	shalt  }
0x79: {  	_ =	shalt  }
0x7a: {  	_ =	shalt  }
0x7b: {  	_ =	shalt  }
0x7c: {  	_ =	shalt  }
0x7d: {  	_ =	shalt  }
0x7e: {  	_ =	shalt  }
0x7f: {  	_ =	shalt  }
0x80: {  	_ =	shalt  }
0x81: {  	_ =	shalt  }
0x82: {  	_ =	shalt  }
0x83: {  	_ =	shalt  }
0x84: {  	_ =	shalt  }
0x85: {  	_ =	shalt  }
0x86: {  	_ =	shalt  }
0x87: {  	_ =	shalt  }
.Lfunc_end0:
.L_simem_size_0:
called_computation_lowered:
.L_overlay_start_0:
0x88: {  	s2 =	sld [smem:$0x3FD9]  }
0x89: {  	s3 =	sld [smem:$0x3FFE];
	_ =	sdelay $0x1  }
0x8a: {  	s1 =	srdreg.scid  }
0x8b: {  	s0 =	sand.u32 $0x1, s1  }
0x8c: {  	s17 =	sshll.u32 s0, $0xA;
	s2 =	sadd.s32 s3, s2  }
0x8d: {  	s2 =	sadd.s32 s2, s17  }
0x8e: {  	[smem:$0x3FC7] =	sst s2  }
0x8f: {  	_ = 	snop  }
0x90: {  	s2 =	sld [smem:$0x3FD0];
	(tm) =	ssettm $0x1  }
0x91: {  	s18 =	sld [smem:$0x3FFB];
	_ =	sdelay $0x3  }
0x92: {  	_ =	strace s18  }
0x93: {  	s3 =	sld [smem:$0x3FFC];
	_ =	sdelay $0x3  }
0x94: {  	_ =	strace s3  }
0x95: {  	s3 =	sld [smem:$0x3FFD];
	_ =	sdelay $0x3  }
0x96: {  	_ =	strace s3  }
0x97: {  	_ =	strace $0x8FFFFFFF  }
0x98: {  	s19 =	sld [smem:$0x3FDB];
	_ =	sdelay $0x1  }
0x99: {  	s4 =	simm.s32 $_scs_section_size  }
0x9a: {  	s5 =	simm.s32 $_size__tile_overlayer_lowered;
	s6 =	simm.s32 $_tile_overlayer_lowered  }
0x9b: {  	s22 =	simm.s32 $0x1BFF;
	s21 =	sshll.u32 s6, $0x1;
	s3 =	sadd.s32 s4, s19  }
0x9c: {  	s7 =	simm.s32 $0x0;
	s20 =	sshll.u32 s5, $0x1;
	s5 =	sadd.s32 s21, s3  }
0x9d: {  	[timem:s7], [sflag:s22] =	dma.local [hbm:s5], s20  }
0x9e: {  	_ =	swait.ge [sflag:s22], s20  }
0x9f: {  	s4 =	ssub.s32 $0x0, s20;
	[sflag:s22] =	ssyncset.done $0x0  }
0xa0: {  	[sflag:s22] =	ssyncadd.s32 s4;
	_ =	sdelay $0x1  }
0xa1: {  	s23 =	simm.s32 $0x1B8B  }
0xa2: {  	_ =	swait.ge [sflag:s23], $0x1  }
0xa3: {  	[sflag:s23] =	ssyncset.done $0x0  }
0xa4: {  	s25 =	simm.s32 $0x1B8E;
	s24 =	sld [smem:$0x3FFE];
	[sflag:s23] =	ssyncadd.s32 $0xFFFFFFFF  }
0xa5: {  	s26 =	simm.s32 $execute0_lowered;
	[smem:$0x3FD2] =	sst s25  }
0xa6: {  	s5 =	sshll.u32 s26, $0x1;
	_ =	strace $0x80000046;
	[dreg:$0x1] =	wrdreg $0xFFFFFFFF  }
0xa7: {  	s28 =	simm.s32 $_size_execute0_lowered;
	s3 =	sadd.s32 s3, s5;
	[dreg:$0x0] =	wrdreg $0x0  }
0xa8: {  	s5 =	sshll.u32 s28, $0x1;
	[dreg:$0x2] =	wrdreg s3  }
0xa9: {  	[dreg:$0x3] =	wrdreg s5  }
0xaa: {  	[dreg:$0x4] =	wrdreg $0xC0  }
0xab: {  	_ =	task [dreg:s7], $0x5FFFF  }
0xac: {  	[dreg:$0x1] =	wrdreg $0xFFFFFFFF  }
0xad: {  	[dreg:$0x0] =	wrdreg $0x60  }
0xae: {  	[dreg:$0x2] =	wrdreg s24  }
0xaf: {  	[dreg:$0x3] =	wrdreg s2  }
0xb0: {  	[dreg:$0x4] =	wrdreg $0x9  }
0xb1: {  	_ =	task.clear_ibuf [dreg:s7], $0x5FFFF;
	_ =	strace $0x90000046  }
0xb2: {  	s29 =	simm.s32 $0x9;
	_ =	strace $0x80000048  }
0xb3: {  	_ =	swait.ge [sflag:s29], $0x1  }
0xb4: {  	[sflag:s29] =	ssyncadd.s32 $0xFFFFFFFF  }
0xb5: {  	_ =	strace $0x90000048  }
0xb6: {  	_ =	sfence  }
0xb7: {  	s30 =	sld [smem:$0x0];
	_ =	sdelay $0x2  }
0xb8: {  	s31 =	sshll.u32 s1, $0xD;
	s1 =	sshrl.u32 s1, $0x2  }
0xb9: {  	s3 =	sand.u32 $0x4000, s31;
	s1 =	sadd.s32 s1, s30  }
0xba: {  	s0 =	sor.u32 s3, s0;
	s1 =	sshll.u32 s1, $0x11  }
0xbb: {  	s0 =	sor.u32 s1, s0  }
0xbc: {  	s0 =	sadd.s32 $0x8F2B, s0  }
0xbd: {  	[sflag:s0] =	ssyncadd.remote.s32 $0x1  }
0xbe: {  	_ =	sfence.sel $0xFFFF  }
0xbf: {  	[dreg:$0x0] =	wrdreg $0xFFFFFFFF;
	(pc) =	sbr.abs _section_cstart, $3  }
0xc0: {  	[dreg:$0x1] =	wrdreg $0xFFFFFFFF  }
0xc1: {  	_ =	task.clear_ibuf [dreg:s7], $0x2FFFF;
	_ =	strace $0x9FFFFFFF  }
0xc2: {  	(tm) =	ssettm $0x7FFFFFFF  }
0xc3: {  	_ =	shalt  }
tec
execute0_lowered:
.L_overlay_start_1:
0x0: {  	(tag) =	ssettag $0x1  }
0x1: {  	s1 =	srdreg.scid;
	s0 =	stileid.u32  }
0x2: {  	s7 =	rddreg [dreg:$0x0];
	s5 =	sand.u32 $0x1, s1;
	s4 =	sshll.u32 s0, $0x1  }
0x3: {  	s3 =	rddreg [dreg:$0x1];
	s2 =	simm.s32 $0x0;
	s4 =	sor.u32 s5, s4  }
0x4: {  	[smem:$0x7FF] =	sst s2;
	s6 =	smul.u32 $0x14, s4  }
0x5: {  	s1 =	rddreg [dreg:$0x2];
	_ =	strace $0x80000047;
	s9 =	ssub.s32 $0x2, s5  }
0x6: {  	s8 =	smul.u32 $0xA00, s4;
	s4 =	simm.s32 $0x2;
	s3 =	sadd.s32 s3, s6  }
0x7: {  	[tilespmem:s2], [sflag:$0x2] =	stream.linear.gather [hbm4b:s3+s2], $0xA0, $0x38;
	[tilespmem:$0x5100] =	vst v63  }
0x8: {  	s31 =	sshrl.u32 s9, $0x1;
	s30 =	sadd.s32 s8, s7;
	_ =	swait.ge [sflag:s4], $0xA0  }
0x9: {  	s6 =	simm.s32 $0x100;
	s8 =	ssub.s32 s9, s31;
	[sflag:s4] =	ssyncset.done $0x0  }
0xa: {  	s5 =	sadd.s32 $0x400, s30;
	s10 =	smax.u32 s8, $0x1;
	[sflag:s4] =	ssyncadd.s32 $0xFFFFFF60  }
0xb: {  	[tilespmem:s6], [sflag:$0x2] =	stream.linear.gather [hbm4b:s5+s2], $0x5000, $0x38;
	[tilespmem:$0x5100] =	vst v63  }
0xc: {  	p0 =	sne.s32 s10, $0x1;
	_ =	swait.ge [sflag:s4], $0x5000  }
.Ltmp0:
0xd: {  	s7 =	sadd.s32 $0x14400, s7;
	[sflag:s4] =	ssyncset.done $0x0;
	(pc) =	sbr.rel @!p0 .LBB2_2-.Ltmp0, $4  }
0xe: {  	s9 =	simm.s32 $0xA0;
	s8 =	simm.s32 $0x1;
	[sflag:s4] =	ssyncadd.s32 $0xFFFFB000  }
0xf: {  	[hbm4b:s7+s9] =	stream.indirect.scatter [tilespmem:s6], [sflag:$0x1], $0x80, s2, s9, $0xb8;
	[tilespmem:$0x5100] =	vst v63  }
0x10: {  	_ =	swait.ge [sflag:s8], $0x5000  }
0x11: {  	s10 =	sadd.s32 $0xFFFFFFFF, s10;
	[sflag:s8] =	ssyncset.done $0x0  }
.LBB2_1:
0x12: {  	p0 =	sne.s32 s10, $0x1;
	s10 =	sadd.s32 $0xFFFFFFFF, s10;
	[sflag:s8] =	ssyncadd.s32 $0xFFFFB000  }
0x13: {  	[tilespmem:s2], [sflag:$0x2] =	stream.linear.gather [hbm4b:s3+s2], $0xA0, $0x38;
	[tilespmem:$0x5100] =	vst v63  }
0x14: {  	_ =	swait.ge [sflag:s4], $0xA0  }
0x15: {  	[sflag:s4] =	ssyncset.done $0x0  }
0x16: {  	[sflag:s4] =	ssyncadd.s32 $0xFFFFFF60  }
0x17: {  	[tilespmem:s6], [sflag:$0x2] =	stream.linear.gather [hbm4b:s5+s2], $0x5000, $0x38;
	[tilespmem:$0x5100] =	vst v63  }
0x18: {  	_ =	swait.ge [sflag:s4], $0x5000  }
.Ltmp1:
0x19: {  	[sflag:s4] =	ssyncset.done $0x0;
	(pc) =	sbr.rel @p0 .LBB2_1-.Ltmp1, $4  }
0x1a: {  	[sflag:s4] =	ssyncadd.s32 $0xFFFFB000  }
0x1b: {  	[hbm4b:s7+s9] =	stream.indirect.scatter [tilespmem:s6], [sflag:$0x1], $0x80, s2, s9, $0xb8;
	[tilespmem:$0x5100] =	vst v63  }
0x1c: {  	_ =	swait.ge [sflag:s8], $0x5000  }
0x1d: {  	[sflag:s8] =	ssyncset.done $0x0  }
.LBB2_2:
0x1e: {  	[sflag:s8] =	ssyncadd.s32 $0xFFFFB000  }
0x1f: {  	_ =	sfence.sel $0x180000  }
0x20: {  	[bflag:$0x0] =	sbarrier.arrive $0xFFFF  }
0x21: {  	p0 =	sne.s32 s0, $0x0;
	_ =	strace $0x90000047  }
0x22: {  	s0 =	sadd.s32 @!p0 $0x100000, s1;
	[bflag:$0x2] =	sbarrier.arrive $0xFFFF  }
0x23: {  	[sflag:s0] =	ssyncadd.tile.s32 @!p0 $0x1;
	_ =	shalt  }
.Lfunc_end2:
_tile_overlayer_lowered:
.L_overlay_start_2:
0x24: {  	(tag) =	ssettag $0x2  }
0x25: {  	s0 =	rddreg [dreg:$0x0];
	s2 =	stileid.u32  }
0x26: {  	s1 =	rddreg [dreg:$0x1];
	p0 =	sne.s32 s2, $0x0  }
0x27: {  	s3 =	rddreg [dreg:$0x2];
	[bflag:$0x3] =	sbarrier.arrive $0xFFFF;
	s2 =	simm.s32 @!p0 $0x1C02  }
0x28: {  	[timem:s3], [sflag:s2] =	dma.local @!p0 [hbm:s0], s1  }
0x29: {  	s0 =	simm.s32 @!p0 $0x2  }
0x2a: {  	_ =	swait.ge @!p0 [sflag:s0], s1  }
0x2b: {  	s1 =	ssub.s32 @!p0 $0x0, s1;
	[sflag:s0] =	ssyncset.done @!p0 $0x0  }
0x2c: {  	[sflag:s0] =	ssyncadd.s32 @!p0 s1  }
0x2d: {  	[bflag:$0x3] =	sbarrier.arrive $0xFFFF  }
0x2e: {  	_ =	shalt  }

</sc_bundles>
